<compile_context>
chip_gen: v7x
topology: tpu7x:2x2x1
jax: 0.10.2.dev20260603
libtpu: 0.0.44.dev20260713+nightly
codegen_flags: <defaults>
</compile_context>

<pallas_src>
import functools

import jax
import jax.numpy as jnp
from jax import lax
from jax.experimental import pallas as pl
from jax.experimental.pallas import tpu as pltpu
from jax.experimental.pallas import tpu_sc as plsc

HIDDEN = 1024
NUM_LAYERS = 24
NUM_EXPERTS = 8
NC = 2
NS = 16
NW = NC * NS

CHUNK = 16
NBUF = 6


@functools.lru_cache(maxsize=None)
def _make_sc_kernel(B: int):
    BPW = B // NW
    NCHUNK = BPW // CHUNK
    HALF = NCHUNK // 2
    seq_len = B // 4

    mesh = plsc.VectorSubcoreMesh(core_axis_name="c", subcore_axis_name="s")

    @functools.partial(
        pl.kernel,
        mesh=mesh,
        out_type=jax.ShapeDtypeStruct((B, HIDDEN), jnp.float32),
        scratch_types=(
            [pltpu.VMEM((BPW,), jnp.int32),
             pltpu.VMEM((NBUF * CHUNK, HIDDEN), jnp.float32)]
            + [pltpu.SemaphoreType.DMA] * (2 * NBUF)
        ),
    )
    def k(ids_hbm, table_hbm, emb_out, idx_v, rows_v, *sems):
        wid = lax.axis_index("s") * NC + lax.axis_index("c")
        base = wid * BPW

        gsems = sems[:NBUF]
        osems = sems[NBUF:]

        t_blk = wid // 2
        r0 = 2 * (wid % 2)

        def out_base(c):
            if c < HALF:
                return r0 * seq_len + 128 * t_blk + c * CHUNK
            return (r0 + 1) * seq_len + 128 * t_blk + (c - HALF) * CHUNK

        def start_gather(c):
            return pltpu.async_copy(
                table_hbm.at[idx_v.at[pl.ds(c * CHUNK, CHUNK)]],
                rows_v.at[pl.ds((c % NBUF) * CHUNK, CHUNK)], gsems[c % NBUF])

        pltpu.sync_copy(ids_hbm.at[pl.ds(base, BPW)], idx_v)

        gathers = [None] * NCHUNK
        ocopies = [None] * NCHUNK
        for c in range(min(NBUF - 1, NCHUNK)):
            gathers[c] = start_gather(c)
        for c in range(NCHUNK):
            gathers[c].wait()
            ocopies[c] = pltpu.async_copy(
                rows_v.at[pl.ds((c % NBUF) * CHUNK, CHUNK)],
                emb_out.at[pl.ds(out_base(c), CHUNK)], osems[c % NBUF])
            nxt = c + NBUF - 1
            if nxt < NCHUNK:
                if c >= 1:
                    ocopies[c - 1].wait()
                gathers[nxt] = start_gather(nxt)
        for c in range(max(0, NCHUNK - NBUF), NCHUNK):
            ocopies[c].wait()

    return k


def _aux_body(gate_ref, pos_ref):
    gate_ref[...] = jnp.zeros_like(gate_ref)

    @pl.when(pl.program_id(0) == 0)
    def _():
        pos_ref[...] = jax.lax.broadcasted_iota(
            jnp.int32, pos_ref.shape, dimension=1)


@functools.lru_cache(maxsize=None)
def _make_aux(bsz: int, seq_len: int):
    return pl.pallas_call(
        _aux_body,
        out_shape=(
            jax.ShapeDtypeStruct(
                (NUM_LAYERS, bsz, NUM_EXPERTS, seq_len), jnp.float32),
            jax.ShapeDtypeStruct((bsz, seq_len), jnp.int32),
        ),
        grid=(NUM_LAYERS,),
        out_specs=(
            pl.BlockSpec(
                (1, bsz, NUM_EXPERTS, seq_len), lambda i: (i, 0, 0, 0)),
            pl.BlockSpec((bsz, seq_len), lambda i: (0, 0)),
        ),
    )


def kernel(input_ids, embed_weight):
    bsz, seq_len = input_ids.shape
    B = bsz * seq_len
    ids_phys = input_ids.reshape(
        bsz, seq_len // 128, 128).transpose(1, 0, 2).reshape(B)
    emb = _make_sc_kernel(B)(ids_phys, embed_weight)
    gate_t, pos = _make_aux(bsz, seq_len)()
    return (emb.reshape(bsz, seq_len, HIDDEN),
            pos,
            jnp.transpose(gate_t, (0, 1, 3, 2)))

# --- scband reference (transcript-rebuilt; emitter-appended) ---
"""Pipeline reference for scband-scigpt-moe-embeddings-pp-19456201851517 (READ-ONLY COPY).

The authoritative reference and input builder live on the scoring server;
editing this copy changes nothing except your own understanding.
"""

import jax, jax.numpy as jnp
import numpy as np

VOCAB_SIZE = 100000
HIDDEN_SIZE = 1024
PAD_TOKEN_ID = 0
NUM_HIDDEN_LAYERS = 24
NUM_LOCAL_EXPERTS = 8
BSZ = 4
SEQ_LEN = 2048


def setup_inputs(seed: int = 0) -> dict:
    key = jax.random.key(seed)
    k1, k2 = jax.random.split(key)
    input_ids = jax.random.randint(k1, (BSZ, SEQ_LEN), 0, VOCAB_SIZE, dtype=jnp.int32)
    embed_weight = jax.random.normal(k2, (VOCAB_SIZE, HIDDEN_SIZE), dtype=jnp.float32)
    # nn.Embedding with padding_idx initializes the pad row to zeros
    embed_weight = embed_weight.at[PAD_TOKEN_ID, :].set(0.0)
    return {"input_ids": input_ids, "embed_weight": embed_weight}


def reference(input_ids, embed_weight):
    bsz, seq_len = input_ids.shape
    # embedding lookup: gather rows of the table
    text_embeds = jnp.take(embed_weight, input_ids, axis=0)
    # position_ids = arange(seq_len) expanded to (bsz, seq_len)
    position_ids = jnp.broadcast_to(jnp.arange(seq_len, dtype=jnp.int32)[None, :], (bsz, seq_len))
    # gate_logits zeros in the dtype of the embedding weight
    gate_logits = jnp.zeros((NUM_HIDDEN_LAYERS, bsz, seq_len, NUM_LOCAL_EXPERTS), dtype=embed_weight.dtype)
    return (text_embeds, position_ids, gate_logits)

if __name__ == "__main__":
    import jax
    _d = setup_inputs()
    print(jax.jit(kernel)(*tuple(_d.values())))

</pallas_src>

<mosaic_0001>
#map = affine_map<(d0, d1) -> (0)>
#map1 = affine_map<(d0, d1) -> (0, 0)>
module attributes {stable_mosaic.version = 14 : i64} {
  func.func @k(%arg0: i32, %arg1: i32, %arg2: memref<8192xi32, #tpu.memory_space<hbm>>, %arg3: memref<100000x1024xf32, #tpu.memory_space<hbm>>, %arg4: memref<8192x1024xf32, #tpu.memory_space<hbm>>, %arg5: memref<256xi32, #tpu.memory_space<vmem>>, %arg6: memref<96x1024xf32, #tpu.memory_space<vmem>>, %arg7: memref<!tpu.dma_semaphore, #tpu.memory_space<semaphore_mem>>, %arg8: memref<!tpu.dma_semaphore, #tpu.memory_space<semaphore_mem>>, %arg9: memref<!tpu.dma_semaphore, #tpu.memory_space<semaphore_mem>>, %arg10: memref<!tpu.dma_semaphore, #tpu.memory_space<semaphore_mem>>, %arg11: memref<!tpu.dma_semaphore, #tpu.memory_space<semaphore_mem>>, %arg12: memref<!tpu.dma_semaphore, #tpu.memory_space<semaphore_mem>>, %arg13: memref<!tpu.dma_semaphore, #tpu.memory_space<semaphore_mem>>, %arg14: memref<!tpu.dma_semaphore, #tpu.memory_space<semaphore_mem>>, %arg15: memref<!tpu.dma_semaphore, #tpu.memory_space<semaphore_mem>>, %arg16: memref<!tpu.dma_semaphore, #tpu.memory_space<semaphore_mem>>, %arg17: memref<!tpu.dma_semaphore, #tpu.memory_space<semaphore_mem>>, %arg18: memref<!tpu.dma_semaphore, #tpu.memory_space<semaphore_mem>>) attributes {dimension_semantics = [#tpu.dimension_semantics<core_parallel>, #tpu.dimension_semantics<subcore_parallel>], iteration_bounds = array<i64: 2, 16>, scalar_prefetch = 0 : i64, scratch_operands = 14 : i64, tpu.core_type = #tpu.core_type<sc_vector_subcore>, window_params = [{transform_indices = #map}, {transform_indices = #map1}, {transform_indices = #map1}]} {
    %mul3A = arith.constant 2 : i32
    %mul3A_0 = arith.muli %arg1, %mul3A : i32
    %add3A = arith.addi %mul3A_0, %arg0 : i32
    %mul3A_1 = arith.constant 256 : i32
    %mul3A_2 = arith.muli %add3A, %mul3A_1 : i32
    %jit3A = arith.constant 2 : i32
    %div3A = arith.divsi %add3A, %jit3A : i32
    %sign3A = arith.constant 0 : i32
    %sign3A_3 = arith.cmpi sgt, %add3A, %sign3A : i32
    %sign3A_4 = arith.extui %sign3A_3 : i1 to i32
    %sign3A_5 = arith.constant 0 : i32
    %sign3A_6 = arith.cmpi slt, %add3A, %sign3A_5 : i32
    %sign3A_7 = arith.extui %sign3A_6 : i1 to i32
    %sign3A_8 = arith.subi %sign3A_4, %sign3A_7 : i32
    %sign3A_9 = arith.constant 0 : i32
    %sign3A_10 = arith.cmpi sgt, %jit3A, %sign3A_9 : i32
    %sign3A_11 = arith.extui %sign3A_10 : i1 to i32
    %sign3A_12 = arith.constant 0 : i32
    %sign3A_13 = arith.cmpi slt, %jit3A, %sign3A_12 : i32
    %sign3A_14 = arith.extui %sign3A_13 : i1 to i32
    %sign3A_15 = arith.subi %sign3A_11, %sign3A_14 : i32
    %ne3A = arith.cmpi ne, %sign3A_8, %sign3A_15 : i32
    %rem3A = arith.remsi %add3A, %jit3A : i32
    %ne3A_16 = arith.constant 0 : i32
    %ne3A_17 = arith.cmpi ne, %rem3A, %ne3A_16 : i32
    %and3A = arith.andi %ne3A, %ne3A_17 : i1
    %sub3A = arith.constant 1 : i32
    %sub3A_18 = arith.subi %div3A, %sub3A : i32
    %select_n3A = arith.select %and3A, %sub3A_18, %div3A : i32
    %jit3A_19 = arith.constant 2 : i32
    %eq3A = arith.constant 0 : i32
    %eq3A_20 = arith.cmpi eq, %jit3A_19, %eq3A : i32
    %jit3A_21 = arith.constant 1 : i32
    %select_n3A_22 = arith.select %eq3A_20, %jit3A_21, %jit3A_19 : i32
    %rem3A_23 = arith.remsi %add3A, %select_n3A_22 : i32
    %ne3A_24 = arith.constant 0 : i32
    %ne3A_25 = arith.cmpi ne, %rem3A_23, %ne3A_24 : i32
    %lt3A = arith.constant 0 : i32
    %lt3A_26 = arith.cmpi slt, %rem3A_23, %lt3A : i32
    %lt3A_27 = arith.constant 0 : i32
    %lt3A_28 = arith.cmpi slt, %select_n3A_22, %lt3A_27 : i32
    %ne3A_29 = arith.xori %lt3A_26, %lt3A_28 : i1
    %and3A_30 = arith.andi %ne3A_29, %ne3A_25 : i1
    %add3A_31 = arith.addi %rem3A_23, %select_n3A_22 : i32
    %select_n3A_32 = arith.select %and3A_30, %add3A_31, %rem3A_23 : i32
    %mul3A_33 = arith.constant 2 : i32
    %mul3A_34 = arith.muli %mul3A_33, %select_n3A_32 : i32
    "tpu.region"() ({
      %run_scoped3A = tpu.sem_alloc : memref<!tpu.dma_semaphore, #tpu.memory_space<semaphore_mem>>
      %dma_start3A_737 = tpu.memref_slice %arg2[%mul3A_2] : memref<8192xi32, #tpu.memory_space<hbm>> -> memref<256xi32, #tpu.memory_space<hbm>>
      %dma_start3A_738 = tpu.memref_slice %arg2[%mul3A_2] : memref<8192xi32, #tpu.memory_space<hbm>> -> memref<256xi32, #tpu.memory_space<hbm>>
      tpu.enqueue_dma source(%dma_start3A_738 : memref<256xi32, #tpu.memory_space<hbm>>) target(%arg5 : memref<256xi32, #tpu.memory_space<vmem>>) target_semaphore(%run_scoped3A : memref<!tpu.dma_semaphore, #tpu.memory_space<semaphore_mem>>)
      %dma_wait3A_739 = tpu.memref_slice %arg2[%mul3A_2] : memref<8192xi32, #tpu.memory_space<hbm>> -> memref<256xi32, #tpu.memory_space<hbm>>
      %dma_wait3A_740 = tpu.memref_slice %arg2[%mul3A_2] : memref<8192xi32, #tpu.memory_space<hbm>> -> memref<256xi32, #tpu.memory_space<hbm>>
      tpu.wait_dma2 semaphore(%run_scoped3A : memref<!tpu.dma_semaphore, #tpu.memory_space<semaphore_mem>>) src(%dma_wait3A_740 : memref<256xi32, #tpu.memory_space<hbm>>) dst(%arg5 : memref<256xi32, #tpu.memory_space<vmem>>)
      tpu.yield
    }) : () -> ()
    %dma_start3A = arith.constant 0 : i32
    %dma_start3A_35 = arith.constant 0 : i32
    %dma_start3A_36 = tpu.memref_slice %arg6[%dma_start3A, %dma_start3A_35] : memref<96x1024xf32, #tpu.memory_space<vmem>> -> memref<16x1024xf32, #tpu.memory_space<vmem>>
    %dma_start3A_37 = arith.constant 0 : i32
    %dma_start3A_38 = tpu.memref_slice %arg5[%dma_start3A_37] : memref<256xi32, #tpu.memory_space<vmem>> -> memref<16xi32, #tpu.memory_space<vmem>>
    %dma_start3A_39 = arith.constant 0 : i32
    %dma_start3A_40 = arith.constant 0 : i32
    %dma_start3A_41 = tpu.memref_slice %arg3[%dma_start3A_39, %dma_start3A_40] : memref<100000x1024xf32, #tpu.memory_space<hbm>> -> memref<100000x1024xf32, #tpu.memory_space<hbm>>
    tpu.enqueue_indirect_dma source(%dma_start3A_41 : memref<100000x1024xf32, #tpu.memory_space<hbm>>) target(%dma_start3A_36 : memref<16x1024xf32, #tpu.memory_space<vmem>>) offsets(%dma_start3A_38 : memref<16xi32, #tpu.memory_space<vmem>>) semaphore(%arg7 : memref<!tpu.dma_semaphore, #tpu.memory_space<semaphore_mem>>)
    %dma_start3A_42 = arith.constant 16 : i32
    %dma_start3A_43 = arith.constant 0 : i32
    %dma_start3A_44 = tpu.memref_slice %arg6[%dma_start3A_42, %dma_start3A_43] : memref<96x1024xf32, #tpu.memory_space<vmem>> -> memref<16x1024xf32, #tpu.memory_space<vmem>>
    %dma_start3A_45 = arith.constant 16 : i32
    %dma_start3A_46 = tpu.memref_slice %arg5[%dma_start3A_45] : memref<256xi32, #tpu.memory_space<vmem>> -> memref<16xi32, #tpu.memory_space<vmem>>
    %dma_start3A_47 = arith.constant 0 : i32
    %dma_start3A_48 = arith.constant 0 : i32
    %dma_start3A_49 = tpu.memref_slice %arg3[%dma_start3A_47, %dma_start3A_48] : memref<100000x1024xf32, #tpu.memory_space<hbm>> -> memref<100000x1024xf32, #tpu.memory_space<hbm>>
    tpu.enqueue_indirect_dma source(%dma_start3A_49 : memref<100000x1024xf32, #tpu.memory_space<hbm>>) target(%dma_start3A_44 : memref<16x1024xf32, #tpu.memory_space<vmem>>) offsets(%dma_start3A_46 : memref<16xi32, #tpu.memory_space<vmem>>) semaphore(%arg8 : memref<!tpu.dma_semaphore, #tpu.memory_space<semaphore_mem>>)
    %dma_start3A_50 = arith.constant 32 : i32
    %dma_start3A_51 = arith.constant 0 : i32
    %dma_start3A_52 = tpu.memref_slice %arg6[%dma_start3A_50, %dma_start3A_51] : memref<96x1024xf32, #tpu.memory_space<vmem>> -> memref<16x1024xf32, #tpu.memory_space<vmem>>
    %dma_start3A_53 = arith.constant 32 : i32
    %dma_start3A_54 = tpu.memref_slice %arg5[%dma_start3A_53] : memref<256xi32, #tpu.memory_space<vmem>> -> memref<16xi32, #tpu.memory_space<vmem>>
    %dma_start3A_55 = arith.constant 0 : i32
    %dma_start3A_56 = arith.constant 0 : i32
    %dma_start3A_57 = tpu.memref_slice %arg3[%dma_start3A_55, %dma_start3A_56] : memref<100000x1024xf32, #tpu.memory_space<hbm>> -> memref<100000x1024xf32, #tpu.memory_space<hbm>>
    tpu.enqueue_indirect_dma source(%dma_start3A_57 : memref<100000x1024xf32, #tpu.memory_space<hbm>>) target(%dma_start3A_52 : memref<16x1024xf32, #tpu.memory_space<vmem>>) offsets(%dma_start3A_54 : memref<16xi32, #tpu.memory_space<vmem>>) semaphore(%arg9 : memref<!tpu.dma_semaphore, #tpu.memory_space<semaphore_mem>>)
    %dma_start3A_58 = arith.constant 48 : i32
    %dma_start3A_59 = arith.constant 0 : i32
    %dma_start3A_60 = tpu.memref_slice %arg6[%dma_start3A_58, %dma_start3A_59] : memref<96x1024xf32, #tpu.memory_space<vmem>> -> memref<16x1024xf32, #tpu.memory_space<vmem>>
    %dma_start3A_61 = arith.constant 48 : i32
    %dma_start3A_62 = tpu.memref_slice %arg5[%dma_start3A_61] : memref<256xi32, #tpu.memory_space<vmem>> -> memref<16xi32, #tpu.memory_space<vmem>>
    %dma_start3A_63 = arith.constant 0 : i32
    %dma_start3A_64 = arith.constant 0 : i32
    %dma_start3A_65 = tpu.memref_slice %arg3[%dma_start3A_63, %dma_start3A_64] : memref<100000x1024xf32, #tpu.memory_space<hbm>> -> memref<100000x1024xf32, #tpu.memory_space<hbm>>
    tpu.enqueue_indirect_dma source(%dma_start3A_65 : memref<100000x1024xf32, #tpu.memory_space<hbm>>) target(%dma_start3A_60 : memref<16x1024xf32, #tpu.memory_space<vmem>>) offsets(%dma_start3A_62 : memref<16xi32, #tpu.memory_space<vmem>>) semaphore(%arg10 : memref<!tpu.dma_semaphore, #tpu.memory_space<semaphore_mem>>)
    %dma_start3A_66 = arith.constant 64 : i32
    %dma_start3A_67 = arith.constant 0 : i32
    %dma_start3A_68 = tpu.memref_slice %arg6[%dma_start3A_66, %dma_start3A_67] : memref<96x1024xf32, #tpu.memory_space<vmem>> -> memref<16x1024xf32, #tpu.memory_space<vmem>>
    %dma_start3A_69 = arith.constant 64 : i32
    %dma_start3A_70 = tpu.memref_slice %arg5[%dma_start3A_69] : memref<256xi32, #tpu.memory_space<vmem>> -> memref<16xi32, #tpu.memory_space<vmem>>
    %dma_start3A_71 = arith.constant 0 : i32
    %dma_start3A_72 = arith.constant 0 : i32
    %dma_start3A_73 = tpu.memref_slice %arg3[%dma_start3A_71, %dma_start3A_72] : memref<100000x1024xf32, #tpu.memory_space<hbm>> -> memref<100000x1024xf32, #tpu.memory_space<hbm>>
    tpu.enqueue_indirect_dma source(%dma_start3A_73 : memref<100000x1024xf32, #tpu.memory_space<hbm>>) target(%dma_start3A_68 : memref<16x1024xf32, #tpu.memory_space<vmem>>) offsets(%dma_start3A_70 : memref<16xi32, #tpu.memory_space<vmem>>) semaphore(%arg11 : memref<!tpu.dma_semaphore, #tpu.memory_space<semaphore_mem>>)
    %dma_wait3A = arith.constant 0 : i32
    %dma_wait3A_74 = arith.constant 0 : i32
    %dma_wait3A_75 = tpu.memref_slice %arg6[%dma_wait3A, %dma_wait3A_74] : memref<96x1024xf32, #tpu.memory_space<vmem>> -> memref<16x1024xf32, #tpu.memory_space<vmem>>
    %dma_wait3A_76 = arith.constant 0 : i32
    %dma_wait3A_77 = tpu.memref_slice %arg5[%dma_wait3A_76] : memref<256xi32, #tpu.memory_space<vmem>> -> memref<16xi32, #tpu.memory_space<vmem>>
    %dma_wait3A_78 = arith.constant 0 : i32
    %dma_wait3A_79 = arith.constant 0 : i32
    %dma_wait3A_80 = tpu.memref_slice %arg3[%dma_wait3A_78, %dma_wait3A_79] : memref<100000x1024xf32, #tpu.memory_space<hbm>> -> memref<100000x1024xf32, #tpu.memory_space<hbm>>
    tpu.wait_indirect_dma semaphore(%arg7 : memref<!tpu.dma_semaphore, #tpu.memory_space<semaphore_mem>>) src(%dma_wait3A_80 : memref<100000x1024xf32, #tpu.memory_space<hbm>>) dst(%dma_wait3A_75 : memref<16x1024xf32, #tpu.memory_space<vmem>>)
    %mul3A_81 = arith.constant 2048 : i32
    %mul3A_82 = arith.muli %mul3A_34, %mul3A_81 : i32
    %mul3A_83 = arith.constant 128 : i32
    %mul3A_84 = arith.muli %mul3A_83, %select_n3A : i32
    %add3A_85 = arith.addi %mul3A_82, %mul3A_84 : i32
    %add3A_86 = arith.constant 0 : i32
    %add3A_87 = arith.addi %add3A_85, %add3A_86 : i32
    %dma_start3A_88 = arith.constant 0 : i32
    %dma_start3A_89 = arith.constant 0 : i32
    %dma_start3A_90 = tpu.memref_slice %arg6[%dma_start3A_88, %dma_start3A_89] : memref<96x1024xf32, #tpu.memory_space<vmem>> -> memref<16x1024xf32, #tpu.memory_space<vmem>>
    %dma_start3A_91 = arith.constant 0 : i32
    %dma_start3A_92 = tpu.memref_slice %arg4[%add3A_87, %dma_start3A_91] : memref<8192x1024xf32, #tpu.memory_space<hbm>> -> memref<16x1024xf32, #tpu.memory_space<hbm>>
    %dma_start3A_93 = arith.constant 0 : i32
    %dma_start3A_94 = tpu.memref_slice %arg4[%add3A_87, %dma_start3A_93] : memref<8192x1024xf32, #tpu.memory_space<hbm>> -> memref<16x1024xf32, #tpu.memory_space<hbm>>
    %dma_start3A_95 = arith.constant 0 : i32
    %dma_start3A_96 = arith.constant 0 : i32
    %dma_start3A_97 = tpu.memref_slice %arg6[%dma_start3A_95, %dma_start3A_96] : memref<96x1024xf32, #tpu.memory_space<vmem>> -> memref<16x1024xf32, #tpu.memory_space<vmem>>
    tpu.enqueue_dma source(%dma_start3A_97 : memref<16x1024xf32, #tpu.memory_space<vmem>>) target(%dma_start3A_94 : memref<16x1024xf32, #tpu.memory_space<hbm>>) target_semaphore(%arg13 : memref<!tpu.dma_semaphore, #tpu.memory_space<semaphore_mem>>)
    %dma_start3A_98 = arith.constant 80 : i32
    %dma_start3A_99 = arith.constant 0 : i32
    %dma_start3A_100 = tpu.memref_slice %arg6[%dma_start3A_98, %dma_start3A_99] : memref<96x1024xf32, #tpu.memory_space<vmem>> -> memref<16x1024xf32, #tpu.memory_space<vmem>>
    %dma_start3A_101 = arith.constant 80 : i32
    %dma_start3A_102 = tpu.memref_slice %arg5[%dma_start3A_101] : memref<256xi32, #tpu.memory_space<vmem>> -> memref<16xi32, #tpu.memory_space<vmem>>
    %dma_start3A_103 = arith.constant 0 : i32
    %dma_start3A_104 = arith.constant 0 : i32
    %dma_start3A_105 = tpu.memref_slice %arg3[%dma_start3A_103, %dma_start3A_104] : memref<100000x1024xf32, #tpu.memory_space<hbm>> -> memref<100000x1024xf32, #tpu.memory_space<hbm>>
    tpu.enqueue_indirect_dma source(%dma_start3A_105 : memref<100000x1024xf32, #tpu.memory_space<hbm>>) target(%dma_start3A_100 : memref<16x1024xf32, #tpu.memory_space<vmem>>) offsets(%dma_start3A_102 : memref<16xi32, #tpu.memory_space<vmem>>) semaphore(%arg12 : memref<!tpu.dma_semaphore, #tpu.memory_space<semaphore_mem>>)
    %dma_wait3A_106 = arith.constant 16 : i32
    %dma_wait3A_107 = arith.constant 0 : i32
    %dma_wait3A_108 = tpu.memref_slice %arg6[%dma_wait3A_106, %dma_wait3A_107] : memref<96x1024xf32, #tpu.memory_space<vmem>> -> memref<16x1024xf32, #tpu.memory_space<vmem>>
    %dma_wait3A_109 = arith.constant 16 : i32
    %dma_wait3A_110 = tpu.memref_slice %arg5[%dma_wait3A_109] : memref<256xi32, #tpu.memory_space<vmem>> -> memref<16xi32, #tpu.memory_space<vmem>>
    %dma_wait3A_111 = arith.constant 0 : i32
    %dma_wait3A_112 = arith.constant 0 : i32
    %dma_wait3A_113 = tpu.memref_slice %arg3[%dma_wait3A_111, %dma_wait3A_112] : memref<100000x1024xf32, #tpu.memory_space<hbm>> -> memref<100000x1024xf32, #tpu.memory_space<hbm>>
    tpu.wait_indirect_dma semaphore(%arg8 : memref<!tpu.dma_semaphore, #tpu.memory_space<semaphore_mem>>) src(%dma_wait3A_113 : memref<100000x1024xf32, #tpu.memory_space<hbm>>) dst(%dma_wait3A_108 : memref<16x1024xf32, #tpu.memory_space<vmem>>)
    %mul3A_114 = arith.constant 2048 : i32
    %mul3A_115 = arith.muli %mul3A_34, %mul3A_114 : i32
    %mul3A_116 = arith.constant 128 : i32
    %mul3A_117 = arith.muli %mul3A_116, %select_n3A : i32
    %add3A_118 = arith.addi %mul3A_115, %mul3A_117 : i32
    %add3A_119 = arith.constant 16 : i32
    %add3A_120 = arith.addi %add3A_118, %add3A_119 : i32
    %dma_start3A_121 = arith.constant 16 : i32
    %dma_start3A_122 = arith.constant 0 : i32
    %dma_start3A_123 = tpu.memref_slice %arg6[%dma_start3A_121, %dma_start3A_122] : memref<96x1024xf32, #tpu.memory_space<vmem>> -> memref<16x1024xf32, #tpu.memory_space<vmem>>
    %dma_start3A_124 = arith.constant 0 : i32
    %dma_start3A_125 = tpu.memref_slice %arg4[%add3A_120, %dma_start3A_124] : memref<8192x1024xf32, #tpu.memory_space<hbm>> -> memref<16x1024xf32, #tpu.memory_space<hbm>>
    %dma_start3A_126 = arith.constant 0 : i32
    %dma_start3A_127 = tpu.memref_slice %arg4[%add3A_120, %dma_start3A_126] : memref<8192x1024xf32, #tpu.memory_space<hbm>> -> memref<16x1024xf32, #tpu.memory_space<hbm>>
    %dma_start3A_128 = arith.constant 16 : i32
    %dma_start3A_129 = arith.constant 0 : i32
    %dma_start3A_130 = tpu.memref_slice %arg6[%dma_start3A_128, %dma_start3A_129] : memref<96x1024xf32, #tpu.memory_space<vmem>> -> memref<16x1024xf32, #tpu.memory_space<vmem>>
    tpu.enqueue_dma source(%dma_start3A_130 : memref<16x1024xf32, #tpu.memory_space<vmem>>) target(%dma_start3A_127 : memref<16x1024xf32, #tpu.memory_space<hbm>>) target_semaphore(%arg14 : memref<!tpu.dma_semaphore, #tpu.memory_space<semaphore_mem>>)
    %dma_wait3A_131 = arith.constant 0 : i32
    %dma_wait3A_132 = arith.constant 0 : i32
    %dma_wait3A_133 = tpu.memref_slice %arg6[%dma_wait3A_131, %dma_wait3A_132] : memref<96x1024xf32, #tpu.memory_space<vmem>> -> memref<16x1024xf32, #tpu.memory_space<vmem>>
    %dma_wait3A_134 = arith.constant 0 : i32
    %dma_wait3A_135 = tpu.memref_slice %arg4[%add3A_87, %dma_wait3A_134] : memref<8192x1024xf32, #tpu.memory_space<hbm>> -> memref<16x1024xf32, #tpu.memory_space<hbm>>
    %dma_wait3A_136 = arith.constant 0 : i32
    %dma_wait3A_137 = tpu.memref_slice %arg4[%add3A_87, %dma_wait3A_136] : memref<8192x1024xf32, #tpu.memory_space<hbm>> -> memref<16x1024xf32, #tpu.memory_space<hbm>>
    %dma_wait3A_138 = arith.constant 0 : i32
    %dma_wait3A_139 = arith.constant 0 : i32
    %dma_wait3A_140 = tpu.memref_slice %arg6[%dma_wait3A_138, %dma_wait3A_139] : memref<96x1024xf32, #tpu.memory_space<vmem>> -> memref<16x1024xf32, #tpu.memory_space<vmem>>
    tpu.wait_dma2 semaphore(%arg13 : memref<!tpu.dma_semaphore, #tpu.memory_space<semaphore_mem>>) src(%dma_wait3A_140 : memref<16x1024xf32, #tpu.memory_space<vmem>>) dst(%dma_wait3A_137 : memref<16x1024xf32, #tpu.memory_space<hbm>>)
    %dma_start3A_141 = arith.constant 0 : i32
    %dma_start3A_142 = arith.constant 0 : i32
    %dma_start3A_143 = tpu.memref_slice %arg6[%dma_start3A_141, %dma_start3A_142] : memref<96x1024xf32, #tpu.memory_space<vmem>> -> memref<16x1024xf32, #tpu.memory_space<vmem>>
    %dma_start3A_144 = arith.constant 96 : i32
    %dma_start3A_145 = tpu.memref_slice %arg5[%dma_start3A_144] : memref<256xi32, #tpu.memory_space<vmem>> -> memref<16xi32, #tpu.memory_space<vmem>>
    %dma_start3A_146 = arith.constant 0 : i32
    %dma_start3A_147 = arith.constant 0 : i32
    %dma_start3A_148 = tpu.memref_slice %arg3[%dma_start3A_146, %dma_start3A_147] : memref<100000x1024xf32, #tpu.memory_space<hbm>> -> memref<100000x1024xf32, #tpu.memory_space<hbm>>
    tpu.enqueue_indirect_dma source(%dma_start3A_148 : memref<100000x1024xf32, #tpu.memory_space<hbm>>) target(%dma_start3A_143 : memref<16x1024xf32, #tpu.memory_space<vmem>>) offsets(%dma_start3A_145 : memref<16xi32, #tpu.memory_space<vmem>>) semaphore(%arg7 : memref<!tpu.dma_semaphore, #tpu.memory_space<semaphore_mem>>)
    %dma_wait3A_149 = arith.constant 32 : i32
    %dma_wait3A_150 = arith.constant 0 : i32
    %dma_wait3A_151 = tpu.memref_slice %arg6[%dma_wait3A_149, %dma_wait3A_150] : memref<96x1024xf32, #tpu.memory_space<vmem>> -> memref<16x1024xf32, #tpu.memory_space<vmem>>
    %dma_wait3A_152 = arith.constant 32 : i32
    %dma_wait3A_153 = tpu.memref_slice %arg5[%dma_wait3A_152] : memref<256xi32, #tpu.memory_space<vmem>> -> memref<16xi32, #tpu.memory_space<vmem>>
    %dma_wait3A_154 = arith.constant 0 : i32
    %dma_wait3A_155 = arith.constant 0 : i32
    %dma_wait3A_156 = tpu.memref_slice %arg3[%dma_wait3A_154, %dma_wait3A_155] : memref<100000x1024xf32, #tpu.memory_space<hbm>> -> memref<100000x1024xf32, #tpu.memory_space<hbm>>
    tpu.wait_indirect_dma semaphore(%arg9 : memref<!tpu.dma_semaphore, #tpu.memory_space<semaphore_mem>>) src(%dma_wait3A_156 : memref<100000x1024xf32, #tpu.memory_space<hbm>>) dst(%dma_wait3A_151 : memref<16x1024xf32, #tpu.memory_space<vmem>>)
    %mul3A_157 = arith.constant 2048 : i32
    %mul3A_158 = arith.muli %mul3A_34, %mul3A_157 : i32
    %mul3A_159 = arith.constant 128 : i32
    %mul3A_160 = arith.muli %mul3A_159, %select_n3A : i32
    %add3A_161 = arith.addi %mul3A_158, %mul3A_160 : i32
    %add3A_162 = arith.constant 32 : i32
    %add3A_163 = arith.addi %add3A_161, %add3A_162 : i32
    %dma_start3A_164 = arith.constant 32 : i32
    %dma_start3A_165 = arith.constant 0 : i32
    %dma_start3A_166 = tpu.memref_slice %arg6[%dma_start3A_164, %dma_start3A_165] : memref<96x1024xf32, #tpu.memory_space<vmem>> -> memref<16x1024xf32, #tpu.memory_space<vmem>>
    %dma_start3A_167 = arith.constant 0 : i32
    %dma_start3A_168 = tpu.memref_slice %arg4[%add3A_163, %dma_start3A_167] : memref<8192x1024xf32, #tpu.memory_space<hbm>> -> memref<16x1024xf32, #tpu.memory_space<hbm>>
    %dma_start3A_169 = arith.constant 0 : i32
    %dma_start3A_170 = tpu.memref_slice %arg4[%add3A_163, %dma_start3A_169] : memref<8192x1024xf32, #tpu.memory_space<hbm>> -> memref<16x1024xf32, #tpu.memory_space<hbm>>
    %dma_start3A_171 = arith.constant 32 : i32
    %dma_start3A_172 = arith.constant 0 : i32
    %dma_start3A_173 = tpu.memref_slice %arg6[%dma_start3A_171, %dma_start3A_172] : memref<96x1024xf32, #tpu.memory_space<vmem>> -> memref<16x1024xf32, #tpu.memory_space<vmem>>
    tpu.enqueue_dma source(%dma_start3A_173 : memref<16x1024xf32, #tpu.memory_space<vmem>>) target(%dma_start3A_170 : memref<16x1024xf32, #tpu.memory_space<hbm>>) target_semaphore(%arg15 : memref<!tpu.dma_semaphore, #tpu.memory_space<semaphore_mem>>)
    %dma_wait3A_174 = arith.constant 16 : i32
    %dma_wait3A_175 = arith.constant 0 : i32
    %dma_wait3A_176 = tpu.memref_slice %arg6[%dma_wait3A_174, %dma_wait3A_175] : memref<96x1024xf32, #tpu.memory_space<vmem>> -> memref<16x1024xf32, #tpu.memory_space<vmem>>
    %dma_wait3A_177 = arith.constant 0 : i32
    %dma_wait3A_178 = tpu.memref_slice %arg4[%add3A_120, %dma_wait3A_177] : memref<8192x1024xf32, #tpu.memory_space<hbm>> -> memref<16x1024xf32, #tpu.memory_space<hbm>>
    %dma_wait3A_179 = arith.constant 0 : i32
    %dma_wait3A_180 = tpu.memref_slice %arg4[%add3A_120, %dma_wait3A_179] : memref<8192x1024xf32, #tpu.memory_space<hbm>> -> memref<16x1024xf32, #tpu.memory_space<hbm>>
    %dma_wait3A_181 = arith.constant 16 : i32
    %dma_wait3A_182 = arith.constant 0 : i32
    %dma_wait3A_183 = tpu.memref_slice %arg6[%dma_wait3A_181, %dma_wait3A_182] : memref<96x1024xf32, #tpu.memory_space<vmem>> -> memref<16x1024xf32, #tpu.memory_space<vmem>>
    tpu.wait_dma2 semaphore(%arg14 : memref<!tpu.dma_semaphore, #tpu.memory_space<semaphore_mem>>) src(%dma_wait3A_183 : memref<16x1024xf32, #tpu.memory_space<vmem>>) dst(%dma_wait3A_180 : memref<16x1024xf32, #tpu.memory_space<hbm>>)
    %dma_start3A_184 = arith.constant 16 : i32
    %dma_start3A_185 = arith.constant 0 : i32
    %dma_start3A_186 = tpu.memref_slice %arg6[%dma_start3A_184, %dma_start3A_185] : memref<96x1024xf32, #tpu.memory_space<vmem>> -> memref<16x1024xf32, #tpu.memory_space<vmem>>
    %dma_start3A_187 = arith.constant 112 : i32
    %dma_start3A_188 = tpu.memref_slice %arg5[%dma_start3A_187] : memref<256xi32, #tpu.memory_space<vmem>> -> memref<16xi32, #tpu.memory_space<vmem>>
    %dma_start3A_189 = arith.constant 0 : i32
    %dma_start3A_190 = arith.constant 0 : i32
    %dma_start3A_191 = tpu.memref_slice %arg3[%dma_start3A_189, %dma_start3A_190] : memref<100000x1024xf32, #tpu.memory_space<hbm>> -> memref<100000x1024xf32, #tpu.memory_space<hbm>>
    tpu.enqueue_indirect_dma source(%dma_start3A_191 : memref<100000x1024xf32, #tpu.memory_space<hbm>>) target(%dma_start3A_186 : memref<16x1024xf32, #tpu.memory_space<vmem>>) offsets(%dma_start3A_188 : memref<16xi32, #tpu.memory_space<vmem>>) semaphore(%arg8 : memref<!tpu.dma_semaphore, #tpu.memory_space<semaphore_mem>>)
    %dma_wait3A_192 = arith.constant 48 : i32
    %dma_wait3A_193 = arith.constant 0 : i32
    %dma_wait3A_194 = tpu.memref_slice %arg6[%dma_wait3A_192, %dma_wait3A_193] : memref<96x1024xf32, #tpu.memory_space<vmem>> -> memref<16x1024xf32, #tpu.memory_space<vmem>>
    %dma_wait3A_195 = arith.constant 48 : i32
    %dma_wait3A_196 = tpu.memref_slice %arg5[%dma_wait3A_195] : memref<256xi32, #tpu.memory_space<vmem>> -> memref<16xi32, #tpu.memory_space<vmem>>
    %dma_wait3A_197 = arith.constant 0 : i32
    %dma_wait3A_198 = arith.constant 0 : i32
    %dma_wait3A_199 = tpu.memref_slice %arg3[%dma_wait3A_197, %dma_wait3A_198] : memref<100000x1024xf32, #tpu.memory_space<hbm>> -> memref<100000x1024xf32, #tpu.memory_space<hbm>>
    tpu.wait_indirect_dma semaphore(%arg10 : memref<!tpu.dma_semaphore, #tpu.memory_space<semaphore_mem>>) src(%dma_wait3A_199 : memref<100000x1024xf32, #tpu.memory_space<hbm>>) dst(%dma_wait3A_194 : memref<16x1024xf32, #tpu.memory_space<vmem>>)
    %mul3A_200 = arith.constant 2048 : i32
    %mul3A_201 = arith.muli %mul3A_34, %mul3A_200 : i32
    %mul3A_202 = arith.constant 128 : i32
    %mul3A_203 = arith.muli %mul3A_202, %select_n3A : i32
    %add3A_204 = arith.addi %mul3A_201, %mul3A_203 : i32
    %add3A_205 = arith.constant 48 : i32
    %add3A_206 = arith.addi %add3A_204, %add3A_205 : i32
    %dma_start3A_207 = arith.constant 48 : i32
    %dma_start3A_208 = arith.constant 0 : i32
    %dma_start3A_209 = tpu.memref_slice %arg6[%dma_start3A_207, %dma_start3A_208] : memref<96x1024xf32, #tpu.memory_space<vmem>> -> memref<16x1024xf32, #tpu.memory_space<vmem>>
    %dma_start3A_210 = arith.constant 0 : i32
    %dma_start3A_211 = tpu.memref_slice %arg4[%add3A_206, %dma_start3A_210] : memref<8192x1024xf32, #tpu.memory_space<hbm>> -> memref<16x1024xf32, #tpu.memory_space<hbm>>
    %dma_start3A_212 = arith.constant 0 : i32
    %dma_start3A_213 = tpu.memref_slice %arg4[%add3A_206, %dma_start3A_212] : memref<8192x1024xf32, #tpu.memory_space<hbm>> -> memref<16x1024xf32, #tpu.memory_space<hbm>>
    %dma_start3A_214 = arith.constant 48 : i32
    %dma_start3A_215 = arith.constant 0 : i32
    %dma_start3A_216 = tpu.memref_slice %arg6[%dma_start3A_214, %dma_start3A_215] : memref<96x1024xf32, #tpu.memory_space<vmem>> -> memref<16x1024xf32, #tpu.memory_space<vmem>>
    tpu.enqueue_dma source(%dma_start3A_216 : memref<16x1024xf32, #tpu.memory_space<vmem>>) target(%dma_start3A_213 : memref<16x1024xf32, #tpu.memory_space<hbm>>) target_semaphore(%arg16 : memref<!tpu.dma_semaphore, #tpu.memory_space<semaphore_mem>>)
    %dma_wait3A_217 = arith.constant 32 : i32
    %dma_wait3A_218 = arith.constant 0 : i32
    %dma_wait3A_219 = tpu.memref_slice %arg6[%dma_wait3A_217, %dma_wait3A_218] : memref<96x1024xf32, #tpu.memory_space<vmem>> -> memref<16x1024xf32, #tpu.memory_space<vmem>>
    %dma_wait3A_220 = arith.constant 0 : i32
    %dma_wait3A_221 = tpu.memref_slice %arg4[%add3A_163, %dma_wait3A_220] : memref<8192x1024xf32, #tpu.memory_space<hbm>> -> memref<16x1024xf32, #tpu.memory_space<hbm>>
    %dma_wait3A_222 = arith.constant 0 : i32
    %dma_wait3A_223 = tpu.memref_slice %arg4[%add3A_163, %dma_wait3A_222] : memref<8192x1024xf32, #tpu.memory_space<hbm>> -> memref<16x1024xf32, #tpu.memory_space<hbm>>
    %dma_wait3A_224 = arith.constant 32 : i32
    %dma_wait3A_225 = arith.constant 0 : i32
    %dma_wait3A_226 = tpu.memref_slice %arg6[%dma_wait3A_224, %dma_wait3A_225] : memref<96x1024xf32, #tpu.memory_space<vmem>> -> memref<16x1024xf32, #tpu.memory_space<vmem>>
    tpu.wait_dma2 semaphore(%arg15 : memref<!tpu.dma_semaphore, #tpu.memory_space<semaphore_mem>>) src(%dma_wait3A_226 : memref<16x1024xf32, #tpu.memory_space<vmem>>) dst(%dma_wait3A_223 : memref<16x1024xf32, #tpu.memory_space<hbm>>)
    %dma_start3A_227 = arith.constant 32 : i32
    %dma_start3A_228 = arith.constant 0 : i32
    %dma_start3A_229 = tpu.memref_slice %arg6[%dma_start3A_227, %dma_start3A_228] : memref<96x1024xf32, #tpu.memory_space<vmem>> -> memref<16x1024xf32, #tpu.memory_space<vmem>>
    %dma_start3A_230 = arith.constant 128 : i32
    %dma_start3A_231 = tpu.memref_slice %arg5[%dma_start3A_230] : memref<256xi32, #tpu.memory_space<vmem>> -> memref<16xi32, #tpu.memory_space<vmem>>
    %dma_start3A_232 = arith.constant 0 : i32
    %dma_start3A_233 = arith.constant 0 : i32
    %dma_start3A_234 = tpu.memref_slice %arg3[%dma_start3A_232, %dma_start3A_233] : memref<100000x1024xf32, #tpu.memory_space<hbm>> -> memref<100000x1024xf32, #tpu.memory_space<hbm>>
    tpu.enqueue_indirect_dma source(%dma_start3A_234 : memref<100000x1024xf32, #tpu.memory_space<hbm>>) target(%dma_start3A_229 : memref<16x1024xf32, #tpu.memory_space<vmem>>) offsets(%dma_start3A_231 : memref<16xi32, #tpu.memory_space<vmem>>) semaphore(%arg9 : memref<!tpu.dma_semaphore, #tpu.memory_space<semaphore_mem>>)
    %dma_wait3A_235 = arith.constant 64 : i32
    %dma_wait3A_236 = arith.constant 0 : i32
    %dma_wait3A_237 = tpu.memref_slice %arg6[%dma_wait3A_235, %dma_wait3A_236] : memref<96x1024xf32, #tpu.memory_space<vmem>> -> memref<16x1024xf32, #tpu.memory_space<vmem>>
    %dma_wait3A_238 = arith.constant 64 : i32
    %dma_wait3A_239 = tpu.memref_slice %arg5[%dma_wait3A_238] : memref<256xi32, #tpu.memory_space<vmem>> -> memref<16xi32, #tpu.memory_space<vmem>>
    %dma_wait3A_240 = arith.constant 0 : i32
    %dma_wait3A_241 = arith.constant 0 : i32
    %dma_wait3A_242 = tpu.memref_slice %arg3[%dma_wait3A_240, %dma_wait3A_241] : memref<100000x1024xf32, #tpu.memory_space<hbm>> -> memref<100000x1024xf32, #tpu.memory_space<hbm>>
    tpu.wait_indirect_dma semaphore(%arg11 : memref<!tpu.dma_semaphore, #tpu.memory_space<semaphore_mem>>) src(%dma_wait3A_242 : memref<100000x1024xf32, #tpu.memory_space<hbm>>) dst(%dma_wait3A_237 : memref<16x1024xf32, #tpu.memory_space<vmem>>)
    %mul3A_243 = arith.constant 2048 : i32
    %mul3A_244 = arith.muli %mul3A_34, %mul3A_243 : i32
    %mul3A_245 = arith.constant 128 : i32
    %mul3A_246 = arith.muli %mul3A_245, %select_n3A : i32
    %add3A_247 = arith.addi %mul3A_244, %mul3A_246 : i32
    %add3A_248 = arith.constant 64 : i32
    %add3A_249 = arith.addi %add3A_247, %add3A_248 : i32
    %dma_start3A_250 = arith.constant 64 : i32
    %dma_start3A_251 = arith.constant 0 : i32
    %dma_start3A_252 = tpu.memref_slice %arg6[%dma_start3A_250, %dma_start3A_251] : memref<96x1024xf32, #tpu.memory_space<vmem>> -> memref<16x1024xf32, #tpu.memory_space<vmem>>
    %dma_start3A_253 = arith.constant 0 : i32
    %dma_start3A_254 = tpu.memref_slice %arg4[%add3A_249, %dma_start3A_253] : memref<8192x1024xf32, #tpu.memory_space<hbm>> -> memref<16x1024xf32, #tpu.memory_space<hbm>>
    %dma_start3A_255 = arith.constant 0 : i32
    %dma_start3A_256 = tpu.memref_slice %arg4[%add3A_249, %dma_start3A_255] : memref<8192x1024xf32, #tpu.memory_space<hbm>> -> memref<16x1024xf32, #tpu.memory_space<hbm>>
    %dma_start3A_257 = arith.constant 64 : i32
    %dma_start3A_258 = arith.constant 0 : i32
    %dma_start3A_259 = tpu.memref_slice %arg6[%dma_start3A_257, %dma_start3A_258] : memref<96x1024xf32, #tpu.memory_space<vmem>> -> memref<16x1024xf32, #tpu.memory_space<vmem>>
    tpu.enqueue_dma source(%dma_start3A_259 : memref<16x1024xf32, #tpu.memory_space<vmem>>) target(%dma_start3A_256 : memref<16x1024xf32, #tpu.memory_space<hbm>>) target_semaphore(%arg17 : memref<!tpu.dma_semaphore, #tpu.memory_space<semaphore_mem>>)
    %dma_wait3A_260 = arith.constant 48 : i32
    %dma_wait3A_261 = arith.constant 0 : i32
    %dma_wait3A_262 = tpu.memref_slice %arg6[%dma_wait3A_260, %dma_wait3A_261] : memref<96x1024xf32, #tpu.memory_space<vmem>> -> memref<16x1024xf32, #tpu.memory_space<vmem>>
    %dma_wait3A_263 = arith.constant 0 : i32
    %dma_wait3A_264 = tpu.memref_slice %arg4[%add3A_206, %dma_wait3A_263] : memref<8192x1024xf32, #tpu.memory_space<hbm>> -> memref<16x1024xf32, #tpu.memory_space<hbm>>
    %dma_wait3A_265 = arith.constant 0 : i32
    %dma_wait3A_266 = tpu.memref_slice %arg4[%add3A_206, %dma_wait3A_265] : memref<8192x1024xf32, #tpu.memory_space<hbm>> -> memref<16x1024xf32, #tpu.memory_space<hbm>>
    %dma_wait3A_267 = arith.constant 48 : i32
    %dma_wait3A_268 = arith.constant 0 : i32
    %dma_wait3A_269 = tpu.memref_slice %arg6[%dma_wait3A_267, %dma_wait3A_268] : memref<96x1024xf32, #tpu.memory_space<vmem>> -> memref<16x1024xf32, #tpu.memory_space<vmem>>
    tpu.wait_dma2 semaphore(%arg16 : memref<!tpu.dma_semaphore, #tpu.memory_space<semaphore_mem>>) src(%dma_wait3A_269 : memref<16x1024xf32, #tpu.memory_space<vmem>>) dst(%dma_wait3A_266 : memref<16x1024xf32, #tpu.memory_space<hbm>>)
    %dma_start3A_270 = arith.constant 48 : i32
    %dma_start3A_271 = arith.constant 0 : i32
    %dma_start3A_272 = tpu.memref_slice %arg6[%dma_start3A_270, %dma_start3A_271] : memref<96x1024xf32, #tpu.memory_space<vmem>> -> memref<16x1024xf32, #tpu.memory_space<vmem>>
    %dma_start3A_273 = arith.constant 144 : i32
    %dma_start3A_274 = tpu.memref_slice %arg5[%dma_start3A_273] : memref<256xi32, #tpu.memory_space<vmem>> -> memref<16xi32, #tpu.memory_space<vmem>>
    %dma_start3A_275 = arith.constant 0 : i32
    %dma_start3A_276 = arith.constant 0 : i32
    %dma_start3A_277 = tpu.memref_slice %arg3[%dma_start3A_275, %dma_start3A_276] : memref<100000x1024xf32, #tpu.memory_space<hbm>> -> memref<100000x1024xf32, #tpu.memory_space<hbm>>
    tpu.enqueue_indirect_dma source(%dma_start3A_277 : memref<100000x1024xf32, #tpu.memory_space<hbm>>) target(%dma_start3A_272 : memref<16x1024xf32, #tpu.memory_space<vmem>>) offsets(%dma_start3A_274 : memref<16xi32, #tpu.memory_space<vmem>>) semaphore(%arg10 : memref<!tpu.dma_semaphore, #tpu.memory_space<semaphore_mem>>)
    %dma_wait3A_278 = arith.constant 80 : i32
    %dma_wait3A_279 = arith.constant 0 : i32
    %dma_wait3A_280 = tpu.memref_slice %arg6[%dma_wait3A_278, %dma_wait3A_279] : memref<96x1024xf32, #tpu.memory_space<vmem>> -> memref<16x1024xf32, #tpu.memory_space<vmem>>
    %dma_wait3A_281 = arith.constant 80 : i32
    %dma_wait3A_282 = tpu.memref_slice %arg5[%dma_wait3A_281] : memref<256xi32, #tpu.memory_space<vmem>> -> memref<16xi32, #tpu.memory_space<vmem>>
    %dma_wait3A_283 = arith.constant 0 : i32
    %dma_wait3A_284 = arith.constant 0 : i32
    %dma_wait3A_285 = tpu.memref_slice %arg3[%dma_wait3A_283, %dma_wait3A_284] : memref<100000x1024xf32, #tpu.memory_space<hbm>> -> memref<100000x1024xf32, #tpu.memory_space<hbm>>
    tpu.wait_indirect_dma semaphore(%arg12 : memref<!tpu.dma_semaphore, #tpu.memory_space<semaphore_mem>>) src(%dma_wait3A_285 : memref<100000x1024xf32, #tpu.memory_space<hbm>>) dst(%dma_wait3A_280 : memref<16x1024xf32, #tpu.memory_space<vmem>>)
    %mul3A_286 = arith.constant 2048 : i32
    %mul3A_287 = arith.muli %mul3A_34, %mul3A_286 : i32
    %mul3A_288 = arith.constant 128 : i32
    %mul3A_289 = arith.muli %mul3A_288, %select_n3A : i32
    %add3A_290 = arith.addi %mul3A_287, %mul3A_289 : i32
    %add3A_291 = arith.constant 80 : i32
    %add3A_292 = arith.addi %add3A_290, %add3A_291 : i32
    %dma_start3A_293 = arith.constant 80 : i32
    %dma_start3A_294 = arith.constant 0 : i32
    %dma_start3A_295 = tpu.memref_slice %arg6[%dma_start3A_293, %dma_start3A_294] : memref<96x1024xf32, #tpu.memory_space<vmem>> -> memref<16x1024xf32, #tpu.memory_space<vmem>>
    %dma_start3A_296 = arith.constant 0 : i32
    %dma_start3A_297 = tpu.memref_slice %arg4[%add3A_292, %dma_start3A_296] : memref<8192x1024xf32, #tpu.memory_space<hbm>> -> memref<16x1024xf32, #tpu.memory_space<hbm>>
    %dma_start3A_298 = arith.constant 0 : i32
    %dma_start3A_299 = tpu.memref_slice %arg4[%add3A_292, %dma_start3A_298] : memref<8192x1024xf32, #tpu.memory_space<hbm>> -> memref<16x1024xf32, #tpu.memory_space<hbm>>
    %dma_start3A_300 = arith.constant 80 : i32
    %dma_start3A_301 = arith.constant 0 : i32
    %dma_start3A_302 = tpu.memref_slice %arg6[%dma_start3A_300, %dma_start3A_301] : memref<96x1024xf32, #tpu.memory_space<vmem>> -> memref<16x1024xf32, #tpu.memory_space<vmem>>
    tpu.enqueue_dma source(%dma_start3A_302 : memref<16x1024xf32, #tpu.memory_space<vmem>>) target(%dma_start3A_299 : memref<16x1024xf32, #tpu.memory_space<hbm>>) target_semaphore(%arg18 : memref<!tpu.dma_semaphore, #tpu.memory_space<semaphore_mem>>)
    %dma_wait3A_303 = arith.constant 64 : i32
    %dma_wait3A_304 = arith.constant 0 : i32
    %dma_wait3A_305 = tpu.memref_slice %arg6[%dma_wait3A_303, %dma_wait3A_304] : memref<96x1024xf32, #tpu.memory_space<vmem>> -> memref<16x1024xf32, #tpu.memory_space<vmem>>
    %dma_wait3A_306 = arith.constant 0 : i32
    %dma_wait3A_307 = tpu.memref_slice %arg4[%add3A_249, %dma_wait3A_306] : memref<8192x1024xf32, #tpu.memory_space<hbm>> -> memref<16x1024xf32, #tpu.memory_space<hbm>>
    %dma_wait3A_308 = arith.constant 0 : i32
    %dma_wait3A_309 = tpu.memref_slice %arg4[%add3A_249, %dma_wait3A_308] : memref<8192x1024xf32, #tpu.memory_space<hbm>> -> memref<16x1024xf32, #tpu.memory_space<hbm>>
    %dma_wait3A_310 = arith.constant 64 : i32
    %dma_wait3A_311 = arith.constant 0 : i32
    %dma_wait3A_312 = tpu.memref_slice %arg6[%dma_wait3A_310, %dma_wait3A_311] : memref<96x1024xf32, #tpu.memory_space<vmem>> -> memref<16x1024xf32, #tpu.memory_space<vmem>>
    tpu.wait_dma2 semaphore(%arg17 : memref<!tpu.dma_semaphore, #tpu.memory_space<semaphore_mem>>) src(%dma_wait3A_312 : memref<16x1024xf32, #tpu.memory_space<vmem>>) dst(%dma_wait3A_309 : memref<16x1024xf32, #tpu.memory_space<hbm>>)
    %dma_start3A_313 = arith.constant 64 : i32
    %dma_start3A_314 = arith.constant 0 : i32
    %dma_start3A_315 = tpu.memref_slice %arg6[%dma_start3A_313, %dma_start3A_314] : memref<96x1024xf32, #tpu.memory_space<vmem>> -> memref<16x1024xf32, #tpu.memory_space<vmem>>
    %dma_start3A_316 = arith.constant 160 : i32
    %dma_start3A_317 = tpu.memref_slice %arg5[%dma_start3A_316] : memref<256xi32, #tpu.memory_space<vmem>> -> memref<16xi32, #tpu.memory_space<vmem>>
    %dma_start3A_318 = arith.constant 0 : i32
    %dma_start3A_319 = arith.constant 0 : i32
    %dma_start3A_320 = tpu.memref_slice %arg3[%dma_start3A_318, %dma_start3A_319] : memref<100000x1024xf32, #tpu.memory_space<hbm>> -> memref<100000x1024xf32, #tpu.memory_space<hbm>>
    tpu.enqueue_indirect_dma source(%dma_start3A_320 : memref<100000x1024xf32, #tpu.memory_space<hbm>>) target(%dma_start3A_315 : memref<16x1024xf32, #tpu.memory_space<vmem>>) offsets(%dma_start3A_317 : memref<16xi32, #tpu.memory_space<vmem>>) semaphore(%arg11 : memref<!tpu.dma_semaphore, #tpu.memory_space<semaphore_mem>>)
    %dma_wait3A_321 = arith.constant 0 : i32
    %dma_wait3A_322 = arith.constant 0 : i32
    %dma_wait3A_323 = tpu.memref_slice %arg6[%dma_wait3A_321, %dma_wait3A_322] : memref<96x1024xf32, #tpu.memory_space<vmem>> -> memref<16x1024xf32, #tpu.memory_space<vmem>>
    %dma_wait3A_324 = arith.constant 96 : i32
    %dma_wait3A_325 = tpu.memref_slice %arg5[%dma_wait3A_324] : memref<256xi32, #tpu.memory_space<vmem>> -> memref<16xi32, #tpu.memory_space<vmem>>
    %dma_wait3A_326 = arith.constant 0 : i32
    %dma_wait3A_327 = arith.constant 0 : i32
    %dma_wait3A_328 = tpu.memref_slice %arg3[%dma_wait3A_326, %dma_wait3A_327] : memref<100000x1024xf32, #tpu.memory_space<hbm>> -> memref<100000x1024xf32, #tpu.memory_space<hbm>>
    tpu.wait_indirect_dma semaphore(%arg7 : memref<!tpu.dma_semaphore, #tpu.memory_space<semaphore_mem>>) src(%dma_wait3A_328 : memref<100000x1024xf32, #tpu.memory_space<hbm>>) dst(%dma_wait3A_323 : memref<16x1024xf32, #tpu.memory_space<vmem>>)
    %mul3A_329 = arith.constant 2048 : i32
    %mul3A_330 = arith.muli %mul3A_34, %mul3A_329 : i32
    %mul3A_331 = arith.constant 128 : i32
    %mul3A_332 = arith.muli %mul3A_331, %select_n3A : i32
    %add3A_333 = arith.addi %mul3A_330, %mul3A_332 : i32
    %add3A_334 = arith.constant 96 : i32
    %add3A_335 = arith.addi %add3A_333, %add3A_334 : i32
    %dma_start3A_336 = arith.constant 0 : i32
    %dma_start3A_337 = arith.constant 0 : i32
    %dma_start3A_338 = tpu.memref_slice %arg6[%dma_start3A_336, %dma_start3A_337] : memref<96x1024xf32, #tpu.memory_space<vmem>> -> memref<16x1024xf32, #tpu.memory_space<vmem>>
    %dma_start3A_339 = arith.constant 0 : i32
    %dma_start3A_340 = tpu.memref_slice %arg4[%add3A_335, %dma_start3A_339] : memref<8192x1024xf32, #tpu.memory_space<hbm>> -> memref<16x1024xf32, #tpu.memory_space<hbm>>
    %dma_start3A_341 = arith.constant 0 : i32
    %dma_start3A_342 = tpu.memref_slice %arg4[%add3A_335, %dma_start3A_341] : memref<8192x1024xf32, #tpu.memory_space<hbm>> -> memref<16x1024xf32, #tpu.memory_space<hbm>>
    %dma_start3A_343 = arith.constant 0 : i32
    %dma_start3A_344 = arith.constant 0 : i32
    %dma_start3A_345 = tpu.memref_slice %arg6[%dma_start3A_343, %dma_start3A_344] : memref<96x1024xf32, #tpu.memory_space<vmem>> -> memref<16x1024xf32, #tpu.memory_space<vmem>>
    tpu.enqueue_dma source(%dma_start3A_345 : memref<16x1024xf32, #tpu.memory_space<vmem>>) target(%dma_start3A_342 : memref<16x1024xf32, #tpu.memory_space<hbm>>) target_semaphore(%arg13 : memref<!tpu.dma_semaphore, #tpu.memory_space<semaphore_mem>>)
    %dma_wait3A_346 = arith.constant 80 : i32
    %dma_wait3A_347 = arith.constant 0 : i32
    %dma_wait3A_348 = tpu.memref_slice %arg6[%dma_wait3A_346, %dma_wait3A_347] : memref<96x1024xf32, #tpu.memory_space<vmem>> -> memref<16x1024xf32, #tpu.memory_space<vmem>>
    %dma_wait3A_349 = arith.constant 0 : i32
    %dma_wait3A_350 = tpu.memref_slice %arg4[%add3A_292, %dma_wait3A_349] : memref<8192x1024xf32, #tpu.memory_space<hbm>> -> memref<16x1024xf32, #tpu.memory_space<hbm>>
    %dma_wait3A_351 = arith.constant 0 : i32
    %dma_wait3A_352 = tpu.memref_slice %arg4[%add3A_292, %dma_wait3A_351] : memref<8192x1024xf32, #tpu.memory_space<hbm>> -> memref<16x1024xf32, #tpu.memory_space<hbm>>
    %dma_wait3A_353 = arith.constant 80 : i32
    %dma_wait3A_354 = arith.constant 0 : i32
    %dma_wait3A_355 = tpu.memref_slice %arg6[%dma_wait3A_353, %dma_wait3A_354] : memref<96x1024xf32, #tpu.memory_space<vmem>> -> memref<16x1024xf32, #tpu.memory_space<vmem>>
    tpu.wait_dma2 semaphore(%arg18 : memref<!tpu.dma_semaphore, #tpu.memory_space<semaphore_mem>>) src(%dma_wait3A_355 : memref<16x1024xf32, #tpu.memory_space<vmem>>) dst(%dma_wait3A_352 : memref<16x1024xf32, #tpu.memory_space<hbm>>)
    %dma_start3A_356 = arith.constant 80 : i32
    %dma_start3A_357 = arith.constant 0 : i32
    %dma_start3A_358 = tpu.memref_slice %arg6[%dma_start3A_356, %dma_start3A_357] : memref<96x1024xf32, #tpu.memory_space<vmem>> -> memref<16x1024xf32, #tpu.memory_space<vmem>>
    %dma_start3A_359 = arith.constant 176 : i32
    %dma_start3A_360 = tpu.memref_slice %arg5[%dma_start3A_359] : memref<256xi32, #tpu.memory_space<vmem>> -> memref<16xi32, #tpu.memory_space<vmem>>
    %dma_start3A_361 = arith.constant 0 : i32
    %dma_start3A_362 = arith.constant 0 : i32
    %dma_start3A_363 = tpu.memref_slice %arg3[%dma_start3A_361, %dma_start3A_362] : memref<100000x1024xf32, #tpu.memory_space<hbm>> -> memref<100000x1024xf32, #tpu.memory_space<hbm>>
    tpu.enqueue_indirect_dma source(%dma_start3A_363 : memref<100000x1024xf32, #tpu.memory_space<hbm>>) target(%dma_start3A_358 : memref<16x1024xf32, #tpu.memory_space<vmem>>) offsets(%dma_start3A_360 : memref<16xi32, #tpu.memory_space<vmem>>) semaphore(%arg12 : memref<!tpu.dma_semaphore, #tpu.memory_space<semaphore_mem>>)
    %dma_wait3A_364 = arith.constant 16 : i32
    %dma_wait3A_365 = arith.constant 0 : i32
    %dma_wait3A_366 = tpu.memref_slice %arg6[%dma_wait3A_364, %dma_wait3A_365] : memref<96x1024xf32, #tpu.memory_space<vmem>> -> memref<16x1024xf32, #tpu.memory_space<vmem>>
    %dma_wait3A_367 = arith.constant 112 : i32
    %dma_wait3A_368 = tpu.memref_slice %arg5[%dma_wait3A_367] : memref<256xi32, #tpu.memory_space<vmem>> -> memref<16xi32, #tpu.memory_space<vmem>>
    %dma_wait3A_369 = arith.constant 0 : i32
    %dma_wait3A_370 = arith.constant 0 : i32
    %dma_wait3A_371 = tpu.memref_slice %arg3[%dma_wait3A_369, %dma_wait3A_370] : memref<100000x1024xf32, #tpu.memory_space<hbm>> -> memref<100000x1024xf32, #tpu.memory_space<hbm>>
    tpu.wait_indirect_dma semaphore(%arg8 : memref<!tpu.dma_semaphore, #tpu.memory_space<semaphore_mem>>) src(%dma_wait3A_371 : memref<100000x1024xf32, #tpu.memory_space<hbm>>) dst(%dma_wait3A_366 : memref<16x1024xf32, #tpu.memory_space<vmem>>)
    %mul3A_372 = arith.constant 2048 : i32
    %mul3A_373 = arith.muli %mul3A_34, %mul3A_372 : i32
    %mul3A_374 = arith.constant 128 : i32
    %mul3A_375 = arith.muli %mul3A_374, %select_n3A : i32
    %add3A_376 = arith.addi %mul3A_373, %mul3A_375 : i32
    %add3A_377 = arith.constant 112 : i32
    %add3A_378 = arith.addi %add3A_376, %add3A_377 : i32
    %dma_start3A_379 = arith.constant 16 : i32
    %dma_start3A_380 = arith.constant 0 : i32
    %dma_start3A_381 = tpu.memref_slice %arg6[%dma_start3A_379, %dma_start3A_380] : memref<96x1024xf32, #tpu.memory_space<vmem>> -> memref<16x1024xf32, #tpu.memory_space<vmem>>
    %dma_start3A_382 = arith.constant 0 : i32
    %dma_start3A_383 = tpu.memref_slice %arg4[%add3A_378, %dma_start3A_382] : memref<8192x1024xf32, #tpu.memory_space<hbm>> -> memref<16x1024xf32, #tpu.memory_space<hbm>>
    %dma_start3A_384 = arith.constant 0 : i32
    %dma_start3A_385 = tpu.memref_slice %arg4[%add3A_378, %dma_start3A_384] : memref<8192x1024xf32, #tpu.memory_space<hbm>> -> memref<16x1024xf32, #tpu.memory_space<hbm>>
    %dma_start3A_386 = arith.constant 16 : i32
    %dma_start3A_387 = arith.constant 0 : i32
    %dma_start3A_388 = tpu.memref_slice %arg6[%dma_start3A_386, %dma_start3A_387] : memref<96x1024xf32, #tpu.memory_space<vmem>> -> memref<16x1024xf32, #tpu.memory_space<vmem>>
    tpu.enqueue_dma source(%dma_start3A_388 : memref<16x1024xf32, #tpu.memory_space<vmem>>) target(%dma_start3A_385 : memref<16x1024xf32, #tpu.memory_space<hbm>>) target_semaphore(%arg14 : memref<!tpu.dma_semaphore, #tpu.memory_space<semaphore_mem>>)
    %dma_wait3A_389 = arith.constant 0 : i32
    %dma_wait3A_390 = arith.constant 0 : i32
    %dma_wait3A_391 = tpu.memref_slice %arg6[%dma_wait3A_389, %dma_wait3A_390] : memref<96x1024xf32, #tpu.memory_space<vmem>> -> memref<16x1024xf32, #tpu.memory_space<vmem>>
    %dma_wait3A_392 = arith.constant 0 : i32
    %dma_wait3A_393 = tpu.memref_slice %arg4[%add3A_335, %dma_wait3A_392] : memref<8192x1024xf32, #tpu.memory_space<hbm>> -> memref<16x1024xf32, #tpu.memory_space<hbm>>
    %dma_wait3A_394 = arith.constant 0 : i32
    %dma_wait3A_395 = tpu.memref_slice %arg4[%add3A_335, %dma_wait3A_394] : memref<8192x1024xf32, #tpu.memory_space<hbm>> -> memref<16x1024xf32, #tpu.memory_space<hbm>>
    %dma_wait3A_396 = arith.constant 0 : i32
    %dma_wait3A_397 = arith.constant 0 : i32
    %dma_wait3A_398 = tpu.memref_slice %arg6[%dma_wait3A_396, %dma_wait3A_397] : memref<96x1024xf32, #tpu.memory_space<vmem>> -> memref<16x1024xf32, #tpu.memory_space<vmem>>
    tpu.wait_dma2 semaphore(%arg13 : memref<!tpu.dma_semaphore, #tpu.memory_space<semaphore_mem>>) src(%dma_wait3A_398 : memref<16x1024xf32, #tpu.memory_space<vmem>>) dst(%dma_wait3A_395 : memref<16x1024xf32, #tpu.memory_space<hbm>>)
    %dma_start3A_399 = arith.constant 0 : i32
    %dma_start3A_400 = arith.constant 0 : i32
    %dma_start3A_401 = tpu.memref_slice %arg6[%dma_start3A_399, %dma_start3A_400] : memref<96x1024xf32, #tpu.memory_space<vmem>> -> memref<16x1024xf32, #tpu.memory_space<vmem>>
    %dma_start3A_402 = arith.constant 192 : i32
    %dma_start3A_403 = tpu.memref_slice %arg5[%dma_start3A_402] : memref<256xi32, #tpu.memory_space<vmem>> -> memref<16xi32, #tpu.memory_space<vmem>>
    %dma_start3A_404 = arith.constant 0 : i32
    %dma_start3A_405 = arith.constant 0 : i32
    %dma_start3A_406 = tpu.memref_slice %arg3[%dma_start3A_404, %dma_start3A_405] : memref<100000x1024xf32, #tpu.memory_space<hbm>> -> memref<100000x1024xf32, #tpu.memory_space<hbm>>
    tpu.enqueue_indirect_dma source(%dma_start3A_406 : memref<100000x1024xf32, #tpu.memory_space<hbm>>) target(%dma_start3A_401 : memref<16x1024xf32, #tpu.memory_space<vmem>>) offsets(%dma_start3A_403 : memref<16xi32, #tpu.memory_space<vmem>>) semaphore(%arg7 : memref<!tpu.dma_semaphore, #tpu.memory_space<semaphore_mem>>)
    %dma_wait3A_407 = arith.constant 32 : i32
    %dma_wait3A_408 = arith.constant 0 : i32
    %dma_wait3A_409 = tpu.memref_slice %arg6[%dma_wait3A_407, %dma_wait3A_408] : memref<96x1024xf32, #tpu.memory_space<vmem>> -> memref<16x1024xf32, #tpu.memory_space<vmem>>
    %dma_wait3A_410 = arith.constant 128 : i32
    %dma_wait3A_411 = tpu.memref_slice %arg5[%dma_wait3A_410] : memref<256xi32, #tpu.memory_space<vmem>> -> memref<16xi32, #tpu.memory_space<vmem>>
    %dma_wait3A_412 = arith.constant 0 : i32
    %dma_wait3A_413 = arith.constant 0 : i32
    %dma_wait3A_414 = tpu.memref_slice %arg3[%dma_wait3A_412, %dma_wait3A_413] : memref<100000x1024xf32, #tpu.memory_space<hbm>> -> memref<100000x1024xf32, #tpu.memory_space<hbm>>
    tpu.wait_indirect_dma semaphore(%arg9 : memref<!tpu.dma_semaphore, #tpu.memory_space<semaphore_mem>>) src(%dma_wait3A_414 : memref<100000x1024xf32, #tpu.memory_space<hbm>>) dst(%dma_wait3A_409 : memref<16x1024xf32, #tpu.memory_space<vmem>>)
    %add3A_415 = arith.constant 1 : i32
    %add3A_416 = arith.addi %mul3A_34, %add3A_415 : i32
    %mul3A_417 = arith.constant 2048 : i32
    %mul3A_418 = arith.muli %add3A_416, %mul3A_417 : i32
    %mul3A_419 = arith.constant 128 : i32
    %mul3A_420 = arith.muli %mul3A_419, %select_n3A : i32
    %add3A_421 = arith.addi %mul3A_418, %mul3A_420 : i32
    %add3A_422 = arith.constant 0 : i32
    %add3A_423 = arith.addi %add3A_421, %add3A_422 : i32
    %dma_start3A_424 = arith.constant 32 : i32
    %dma_start3A_425 = arith.constant 0 : i32
    %dma_start3A_426 = tpu.memref_slice %arg6[%dma_start3A_424, %dma_start3A_425] : memref<96x1024xf32, #tpu.memory_space<vmem>> -> memref<16x1024xf32, #tpu.memory_space<vmem>>
    %dma_start3A_427 = arith.constant 0 : i32
    %dma_start3A_428 = tpu.memref_slice %arg4[%add3A_423, %dma_start3A_427] : memref<8192x1024xf32, #tpu.memory_space<hbm>> -> memref<16x1024xf32, #tpu.memory_space<hbm>>
    %dma_start3A_429 = arith.constant 0 : i32
    %dma_start3A_430 = tpu.memref_slice %arg4[%add3A_423, %dma_start3A_429] : memref<8192x1024xf32, #tpu.memory_space<hbm>> -> memref<16x1024xf32, #tpu.memory_space<hbm>>
    %dma_start3A_431 = arith.constant 32 : i32
    %dma_start3A_432 = arith.constant 0 : i32
    %dma_start3A_433 = tpu.memref_slice %arg6[%dma_start3A_431, %dma_start3A_432] : memref<96x1024xf32, #tpu.memory_space<vmem>> -> memref<16x1024xf32, #tpu.memory_space<vmem>>
    tpu.enqueue_dma source(%dma_start3A_433 : memref<16x1024xf32, #tpu.memory_space<vmem>>) target(%dma_start3A_430 : memref<16x1024xf32, #tpu.memory_space<hbm>>) target_semaphore(%arg15 : memref<!tpu.dma_semaphore, #tpu.memory_space<semaphore_mem>>)
    %dma_wait3A_434 = arith.constant 16 : i32
    %dma_wait3A_435 = arith.constant 0 : i32
    %dma_wait3A_436 = tpu.memref_slice %arg6[%dma_wait3A_434, %dma_wait3A_435] : memref<96x1024xf32, #tpu.memory_space<vmem>> -> memref<16x1024xf32, #tpu.memory_space<vmem>>
    %dma_wait3A_437 = arith.constant 0 : i32
    %dma_wait3A_438 = tpu.memref_slice %arg4[%add3A_378, %dma_wait3A_437] : memref<8192x1024xf32, #tpu.memory_space<hbm>> -> memref<16x1024xf32, #tpu.memory_space<hbm>>
    %dma_wait3A_439 = arith.constant 0 : i32
    %dma_wait3A_440 = tpu.memref_slice %arg4[%add3A_378, %dma_wait3A_439] : memref<8192x1024xf32, #tpu.memory_space<hbm>> -> memref<16x1024xf32, #tpu.memory_space<hbm>>
    %dma_wait3A_441 = arith.constant 16 : i32
    %dma_wait3A_442 = arith.constant 0 : i32
    %dma_wait3A_443 = tpu.memref_slice %arg6[%dma_wait3A_441, %dma_wait3A_442] : memref<96x1024xf32, #tpu.memory_space<vmem>> -> memref<16x1024xf32, #tpu.memory_space<vmem>>
    tpu.wait_dma2 semaphore(%arg14 : memref<!tpu.dma_semaphore, #tpu.memory_space<semaphore_mem>>) src(%dma_wait3A_443 : memref<16x1024xf32, #tpu.memory_space<vmem>>) dst(%dma_wait3A_440 : memref<16x1024xf32, #tpu.memory_space<hbm>>)
    %dma_start3A_444 = arith.constant 16 : i32
    %dma_start3A_445 = arith.constant 0 : i32
    %dma_start3A_446 = tpu.memref_slice %arg6[%dma_start3A_444, %dma_start3A_445] : memref<96x1024xf32, #tpu.memory_space<vmem>> -> memref<16x1024xf32, #tpu.memory_space<vmem>>
    %dma_start3A_447 = arith.constant 208 : i32
    %dma_start3A_448 = tpu.memref_slice %arg5[%dma_start3A_447] : memref<256xi32, #tpu.memory_space<vmem>> -> memref<16xi32, #tpu.memory_space<vmem>>
    %dma_start3A_449 = arith.constant 0 : i32
    %dma_start3A_450 = arith.constant 0 : i32
    %dma_start3A_451 = tpu.memref_slice %arg3[%dma_start3A_449, %dma_start3A_450] : memref<100000x1024xf32, #tpu.memory_space<hbm>> -> memref<100000x1024xf32, #tpu.memory_space<hbm>>
    tpu.enqueue_indirect_dma source(%dma_start3A_451 : memref<100000x1024xf32, #tpu.memory_space<hbm>>) target(%dma_start3A_446 : memref<16x1024xf32, #tpu.memory_space<vmem>>) offsets(%dma_start3A_448 : memref<16xi32, #tpu.memory_space<vmem>>) semaphore(%arg8 : memref<!tpu.dma_semaphore, #tpu.memory_space<semaphore_mem>>)
    %dma_wait3A_452 = arith.constant 48 : i32
    %dma_wait3A_453 = arith.constant 0 : i32
    %dma_wait3A_454 = tpu.memref_slice %arg6[%dma_wait3A_452, %dma_wait3A_453] : memref<96x1024xf32, #tpu.memory_space<vmem>> -> memref<16x1024xf32, #tpu.memory_space<vmem>>
    %dma_wait3A_455 = arith.constant 144 : i32
    %dma_wait3A_456 = tpu.memref_slice %arg5[%dma_wait3A_455] : memref<256xi32, #tpu.memory_space<vmem>> -> memref<16xi32, #tpu.memory_space<vmem>>
    %dma_wait3A_457 = arith.constant 0 : i32
    %dma_wait3A_458 = arith.constant 0 : i32
    %dma_wait3A_459 = tpu.memref_slice %arg3[%dma_wait3A_457, %dma_wait3A_458] : memref<100000x1024xf32, #tpu.memory_space<hbm>> -> memref<100000x1024xf32, #tpu.memory_space<hbm>>
    tpu.wait_indirect_dma semaphore(%arg10 : memref<!tpu.dma_semaphore, #tpu.memory_space<semaphore_mem>>) src(%dma_wait3A_459 : memref<100000x1024xf32, #tpu.memory_space<hbm>>) dst(%dma_wait3A_454 : memref<16x1024xf32, #tpu.memory_space<vmem>>)
    %add3A_460 = arith.constant 1 : i32
    %add3A_461 = arith.addi %mul3A_34, %add3A_460 : i32
    %mul3A_462 = arith.constant 2048 : i32
    %mul3A_463 = arith.muli %add3A_461, %mul3A_462 : i32
    %mul3A_464 = arith.constant 128 : i32
    %mul3A_465 = arith.muli %mul3A_464, %select_n3A : i32
    %add3A_466 = arith.addi %mul3A_463, %mul3A_465 : i32
    %add3A_467 = arith.constant 16 : i32
    %add3A_468 = arith.addi %add3A_466, %add3A_467 : i32
    %dma_start3A_469 = arith.constant 48 : i32
    %dma_start3A_470 = arith.constant 0 : i32
    %dma_start3A_471 = tpu.memref_slice %arg6[%dma_start3A_469, %dma_start3A_470] : memref<96x1024xf32, #tpu.memory_space<vmem>> -> memref<16x1024xf32, #tpu.memory_space<vmem>>
    %dma_start3A_472 = arith.constant 0 : i32
    %dma_start3A_473 = tpu.memref_slice %arg4[%add3A_468, %dma_start3A_472] : memref<8192x1024xf32, #tpu.memory_space<hbm>> -> memref<16x1024xf32, #tpu.memory_space<hbm>>
    %dma_start3A_474 = arith.constant 0 : i32
    %dma_start3A_475 = tpu.memref_slice %arg4[%add3A_468, %dma_start3A_474] : memref<8192x1024xf32, #tpu.memory_space<hbm>> -> memref<16x1024xf32, #tpu.memory_space<hbm>>
    %dma_start3A_476 = arith.constant 48 : i32
    %dma_start3A_477 = arith.constant 0 : i32
    %dma_start3A_478 = tpu.memref_slice %arg6[%dma_start3A_476, %dma_start3A_477] : memref<96x1024xf32, #tpu.memory_space<vmem>> -> memref<16x1024xf32, #tpu.memory_space<vmem>>
    tpu.enqueue_dma source(%dma_start3A_478 : memref<16x1024xf32, #tpu.memory_space<vmem>>) target(%dma_start3A_475 : memref<16x1024xf32, #tpu.memory_space<hbm>>) target_semaphore(%arg16 : memref<!tpu.dma_semaphore, #tpu.memory_space<semaphore_mem>>)
    %dma_wait3A_479 = arith.constant 32 : i32
    %dma_wait3A_480 = arith.constant 0 : i32
    %dma_wait3A_481 = tpu.memref_slice %arg6[%dma_wait3A_479, %dma_wait3A_480] : memref<96x1024xf32, #tpu.memory_space<vmem>> -> memref<16x1024xf32, #tpu.memory_space<vmem>>
    %dma_wait3A_482 = arith.constant 0 : i32
    %dma_wait3A_483 = tpu.memref_slice %arg4[%add3A_423, %dma_wait3A_482] : memref<8192x1024xf32, #tpu.memory_space<hbm>> -> memref<16x1024xf32, #tpu.memory_space<hbm>>
    %dma_wait3A_484 = arith.constant 0 : i32
    %dma_wait3A_485 = tpu.memref_slice %arg4[%add3A_423, %dma_wait3A_484] : memref<8192x1024xf32, #tpu.memory_space<hbm>> -> memref<16x1024xf32, #tpu.memory_space<hbm>>
    %dma_wait3A_486 = arith.constant 32 : i32
    %dma_wait3A_487 = arith.constant 0 : i32
    %dma_wait3A_488 = tpu.memref_slice %arg6[%dma_wait3A_486, %dma_wait3A_487] : memref<96x1024xf32, #tpu.memory_space<vmem>> -> memref<16x1024xf32, #tpu.memory_space<vmem>>
    tpu.wait_dma2 semaphore(%arg15 : memref<!tpu.dma_semaphore, #tpu.memory_space<semaphore_mem>>) src(%dma_wait3A_488 : memref<16x1024xf32, #tpu.memory_space<vmem>>) dst(%dma_wait3A_485 : memref<16x1024xf32, #tpu.memory_space<hbm>>)
    %dma_start3A_489 = arith.constant 32 : i32
    %dma_start3A_490 = arith.constant 0 : i32
    %dma_start3A_491 = tpu.memref_slice %arg6[%dma_start3A_489, %dma_start3A_490] : memref<96x1024xf32, #tpu.memory_space<vmem>> -> memref<16x1024xf32, #tpu.memory_space<vmem>>
    %dma_start3A_492 = arith.constant 224 : i32
    %dma_start3A_493 = tpu.memref_slice %arg5[%dma_start3A_492] : memref<256xi32, #tpu.memory_space<vmem>> -> memref<16xi32, #tpu.memory_space<vmem>>
    %dma_start3A_494 = arith.constant 0 : i32
    %dma_start3A_495 = arith.constant 0 : i32
    %dma_start3A_496 = tpu.memref_slice %arg3[%dma_start3A_494, %dma_start3A_495] : memref<100000x1024xf32, #tpu.memory_space<hbm>> -> memref<100000x1024xf32, #tpu.memory_space<hbm>>
    tpu.enqueue_indirect_dma source(%dma_start3A_496 : memref<100000x1024xf32, #tpu.memory_space<hbm>>) target(%dma_start3A_491 : memref<16x1024xf32, #tpu.memory_space<vmem>>) offsets(%dma_start3A_493 : memref<16xi32, #tpu.memory_space<vmem>>) semaphore(%arg9 : memref<!tpu.dma_semaphore, #tpu.memory_space<semaphore_mem>>)
    %dma_wait3A_497 = arith.constant 64 : i32
    %dma_wait3A_498 = arith.constant 0 : i32
    %dma_wait3A_499 = tpu.memref_slice %arg6[%dma_wait3A_497, %dma_wait3A_498] : memref<96x1024xf32, #tpu.memory_space<vmem>> -> memref<16x1024xf32, #tpu.memory_space<vmem>>
    %dma_wait3A_500 = arith.constant 160 : i32
    %dma_wait3A_501 = tpu.memref_slice %arg5[%dma_wait3A_500] : memref<256xi32, #tpu.memory_space<vmem>> -> memref<16xi32, #tpu.memory_space<vmem>>
    %dma_wait3A_502 = arith.constant 0 : i32
    %dma_wait3A_503 = arith.constant 0 : i32
    %dma_wait3A_504 = tpu.memref_slice %arg3[%dma_wait3A_502, %dma_wait3A_503] : memref<100000x1024xf32, #tpu.memory_space<hbm>> -> memref<100000x1024xf32, #tpu.memory_space<hbm>>
    tpu.wait_indirect_dma semaphore(%arg11 : memref<!tpu.dma_semaphore, #tpu.memory_space<semaphore_mem>>) src(%dma_wait3A_504 : memref<100000x1024xf32, #tpu.memory_space<hbm>>) dst(%dma_wait3A_499 : memref<16x1024xf32, #tpu.memory_space<vmem>>)
    %add3A_505 = arith.constant 1 : i32
    %add3A_506 = arith.addi %mul3A_34, %add3A_505 : i32
    %mul3A_507 = arith.constant 2048 : i32
    %mul3A_508 = arith.muli %add3A_506, %mul3A_507 : i32
    %mul3A_509 = arith.constant 128 : i32
    %mul3A_510 = arith.muli %mul3A_509, %select_n3A : i32
    %add3A_511 = arith.addi %mul3A_508, %mul3A_510 : i32
    %add3A_512 = arith.constant 32 : i32
    %add3A_513 = arith.addi %add3A_511, %add3A_512 : i32
    %dma_start3A_514 = arith.constant 64 : i32
    %dma_start3A_515 = arith.constant 0 : i32
    %dma_start3A_516 = tpu.memref_slice %arg6[%dma_start3A_514, %dma_start3A_515] : memref<96x1024xf32, #tpu.memory_space<vmem>> -> memref<16x1024xf32, #tpu.memory_space<vmem>>
    %dma_start3A_517 = arith.constant 0 : i32
    %dma_start3A_518 = tpu.memref_slice %arg4[%add3A_513, %dma_start3A_517] : memref<8192x1024xf32, #tpu.memory_space<hbm>> -> memref<16x1024xf32, #tpu.memory_space<hbm>>
    %dma_start3A_519 = arith.constant 0 : i32
    %dma_start3A_520 = tpu.memref_slice %arg4[%add3A_513, %dma_start3A_519] : memref<8192x1024xf32, #tpu.memory_space<hbm>> -> memref<16x1024xf32, #tpu.memory_space<hbm>>
    %dma_start3A_521 = arith.constant 64 : i32
    %dma_start3A_522 = arith.constant 0 : i32
    %dma_start3A_523 = tpu.memref_slice %arg6[%dma_start3A_521, %dma_start3A_522] : memref<96x1024xf32, #tpu.memory_space<vmem>> -> memref<16x1024xf32, #tpu.memory_space<vmem>>
    tpu.enqueue_dma source(%dma_start3A_523 : memref<16x1024xf32, #tpu.memory_space<vmem>>) target(%dma_start3A_520 : memref<16x1024xf32, #tpu.memory_space<hbm>>) target_semaphore(%arg17 : memref<!tpu.dma_semaphore, #tpu.memory_space<semaphore_mem>>)
    %dma_wait3A_524 = arith.constant 48 : i32
    %dma_wait3A_525 = arith.constant 0 : i32
    %dma_wait3A_526 = tpu.memref_slice %arg6[%dma_wait3A_524, %dma_wait3A_525] : memref<96x1024xf32, #tpu.memory_space<vmem>> -> memref<16x1024xf32, #tpu.memory_space<vmem>>
    %dma_wait3A_527 = arith.constant 0 : i32
    %dma_wait3A_528 = tpu.memref_slice %arg4[%add3A_468, %dma_wait3A_527] : memref<8192x1024xf32, #tpu.memory_space<hbm>> -> memref<16x1024xf32, #tpu.memory_space<hbm>>
    %dma_wait3A_529 = arith.constant 0 : i32
    %dma_wait3A_530 = tpu.memref_slice %arg4[%add3A_468, %dma_wait3A_529] : memref<8192x1024xf32, #tpu.memory_space<hbm>> -> memref<16x1024xf32, #tpu.memory_space<hbm>>
    %dma_wait3A_531 = arith.constant 48 : i32
    %dma_wait3A_532 = arith.constant 0 : i32
    %dma_wait3A_533 = tpu.memref_slice %arg6[%dma_wait3A_531, %dma_wait3A_532] : memref<96x1024xf32, #tpu.memory_space<vmem>> -> memref<16x1024xf32, #tpu.memory_space<vmem>>
    tpu.wait_dma2 semaphore(%arg16 : memref<!tpu.dma_semaphore, #tpu.memory_space<semaphore_mem>>) src(%dma_wait3A_533 : memref<16x1024xf32, #tpu.memory_space<vmem>>) dst(%dma_wait3A_530 : memref<16x1024xf32, #tpu.memory_space<hbm>>)
    %dma_start3A_534 = arith.constant 48 : i32
    %dma_start3A_535 = arith.constant 0 : i32
    %dma_start3A_536 = tpu.memref_slice %arg6[%dma_start3A_534, %dma_start3A_535] : memref<96x1024xf32, #tpu.memory_space<vmem>> -> memref<16x1024xf32, #tpu.memory_space<vmem>>
    %dma_start3A_537 = arith.constant 240 : i32
    %dma_start3A_538 = tpu.memref_slice %arg5[%dma_start3A_537] : memref<256xi32, #tpu.memory_space<vmem>> -> memref<16xi32, #tpu.memory_space<vmem>>
    %dma_start3A_539 = arith.constant 0 : i32
    %dma_start3A_540 = arith.constant 0 : i32
    %dma_start3A_541 = tpu.memref_slice %arg3[%dma_start3A_539, %dma_start3A_540] : memref<100000x1024xf32, #tpu.memory_space<hbm>> -> memref<100000x1024xf32, #tpu.memory_space<hbm>>
    tpu.enqueue_indirect_dma source(%dma_start3A_541 : memref<100000x1024xf32, #tpu.memory_space<hbm>>) target(%dma_start3A_536 : memref<16x1024xf32, #tpu.memory_space<vmem>>) offsets(%dma_start3A_538 : memref<16xi32, #tpu.memory_space<vmem>>) semaphore(%arg10 : memref<!tpu.dma_semaphore, #tpu.memory_space<semaphore_mem>>)
    %dma_wait3A_542 = arith.constant 80 : i32
    %dma_wait3A_543 = arith.constant 0 : i32
    %dma_wait3A_544 = tpu.memref_slice %arg6[%dma_wait3A_542, %dma_wait3A_543] : memref<96x1024xf32, #tpu.memory_space<vmem>> -> memref<16x1024xf32, #tpu.memory_space<vmem>>
    %dma_wait3A_545 = arith.constant 176 : i32
    %dma_wait3A_546 = tpu.memref_slice %arg5[%dma_wait3A_545] : memref<256xi32, #tpu.memory_space<vmem>> -> memref<16xi32, #tpu.memory_space<vmem>>
    %dma_wait3A_547 = arith.constant 0 : i32
    %dma_wait3A_548 = arith.constant 0 : i32
    %dma_wait3A_549 = tpu.memref_slice %arg3[%dma_wait3A_547, %dma_wait3A_548] : memref<100000x1024xf32, #tpu.memory_space<hbm>> -> memref<100000x1024xf32, #tpu.memory_space<hbm>>
    tpu.wait_indirect_dma semaphore(%arg12 : memref<!tpu.dma_semaphore, #tpu.memory_space<semaphore_mem>>) src(%dma_wait3A_549 : memref<100000x1024xf32, #tpu.memory_space<hbm>>) dst(%dma_wait3A_544 : memref<16x1024xf32, #tpu.memory_space<vmem>>)
    %add3A_550 = arith.constant 1 : i32
    %add3A_551 = arith.addi %mul3A_34, %add3A_550 : i32
    %mul3A_552 = arith.constant 2048 : i32
    %mul3A_553 = arith.muli %add3A_551, %mul3A_552 : i32
    %mul3A_554 = arith.constant 128 : i32
    %mul3A_555 = arith.muli %mul3A_554, %select_n3A : i32
    %add3A_556 = arith.addi %mul3A_553, %mul3A_555 : i32
    %add3A_557 = arith.constant 48 : i32
    %add3A_558 = arith.addi %add3A_556, %add3A_557 : i32
    %dma_start3A_559 = arith.constant 80 : i32
    %dma_start3A_560 = arith.constant 0 : i32
    %dma_start3A_561 = tpu.memref_slice %arg6[%dma_start3A_559, %dma_start3A_560] : memref<96x1024xf32, #tpu.memory_space<vmem>> -> memref<16x1024xf32, #tpu.memory_space<vmem>>
    %dma_start3A_562 = arith.constant 0 : i32
    %dma_start3A_563 = tpu.memref_slice %arg4[%add3A_558, %dma_start3A_562] : memref<8192x1024xf32, #tpu.memory_space<hbm>> -> memref<16x1024xf32, #tpu.memory_space<hbm>>
    %dma_start3A_564 = arith.constant 0 : i32
    %dma_start3A_565 = tpu.memref_slice %arg4[%add3A_558, %dma_start3A_564] : memref<8192x1024xf32, #tpu.memory_space<hbm>> -> memref<16x1024xf32, #tpu.memory_space<hbm>>
    %dma_start3A_566 = arith.constant 80 : i32
    %dma_start3A_567 = arith.constant 0 : i32
    %dma_start3A_568 = tpu.memref_slice %arg6[%dma_start3A_566, %dma_start3A_567] : memref<96x1024xf32, #tpu.memory_space<vmem>> -> memref<16x1024xf32, #tpu.memory_space<vmem>>
    tpu.enqueue_dma source(%dma_start3A_568 : memref<16x1024xf32, #tpu.memory_space<vmem>>) target(%dma_start3A_565 : memref<16x1024xf32, #tpu.memory_space<hbm>>) target_semaphore(%arg18 : memref<!tpu.dma_semaphore, #tpu.memory_space<semaphore_mem>>)
    %dma_wait3A_569 = arith.constant 0 : i32
    %dma_wait3A_570 = arith.constant 0 : i32
    %dma_wait3A_571 = tpu.memref_slice %arg6[%dma_wait3A_569, %dma_wait3A_570] : memref<96x1024xf32, #tpu.memory_space<vmem>> -> memref<16x1024xf32, #tpu.memory_space<vmem>>
    %dma_wait3A_572 = arith.constant 192 : i32
    %dma_wait3A_573 = tpu.memref_slice %arg5[%dma_wait3A_572] : memref<256xi32, #tpu.memory_space<vmem>> -> memref<16xi32, #tpu.memory_space<vmem>>
    %dma_wait3A_574 = arith.constant 0 : i32
    %dma_wait3A_575 = arith.constant 0 : i32
    %dma_wait3A_576 = tpu.memref_slice %arg3[%dma_wait3A_574, %dma_wait3A_575] : memref<100000x1024xf32, #tpu.memory_space<hbm>> -> memref<100000x1024xf32, #tpu.memory_space<hbm>>
    tpu.wait_indirect_dma semaphore(%arg7 : memref<!tpu.dma_semaphore, #tpu.memory_space<semaphore_mem>>) src(%dma_wait3A_576 : memref<100000x1024xf32, #tpu.memory_space<hbm>>) dst(%dma_wait3A_571 : memref<16x1024xf32, #tpu.memory_space<vmem>>)
    %add3A_577 = arith.constant 1 : i32
    %add3A_578 = arith.addi %mul3A_34, %add3A_577 : i32
    %mul3A_579 = arith.constant 2048 : i32
    %mul3A_580 = arith.muli %add3A_578, %mul3A_579 : i32
    %mul3A_581 = arith.constant 128 : i32
    %mul3A_582 = arith.muli %mul3A_581, %select_n3A : i32
    %add3A_583 = arith.addi %mul3A_580, %mul3A_582 : i32
    %add3A_584 = arith.constant 64 : i32
    %add3A_585 = arith.addi %add3A_583, %add3A_584 : i32
    %dma_start3A_586 = arith.constant 0 : i32
    %dma_start3A_587 = arith.constant 0 : i32
    %dma_start3A_588 = tpu.memref_slice %arg6[%dma_start3A_586, %dma_start3A_587] : memref<96x1024xf32, #tpu.memory_space<vmem>> -> memref<16x1024xf32, #tpu.memory_space<vmem>>
    %dma_start3A_589 = arith.constant 0 : i32
    %dma_start3A_590 = tpu.memref_slice %arg4[%add3A_585, %dma_start3A_589] : memref<8192x1024xf32, #tpu.memory_space<hbm>> -> memref<16x1024xf32, #tpu.memory_space<hbm>>
    %dma_start3A_591 = arith.constant 0 : i32
    %dma_start3A_592 = tpu.memref_slice %arg4[%add3A_585, %dma_start3A_591] : memref<8192x1024xf32, #tpu.memory_space<hbm>> -> memref<16x1024xf32, #tpu.memory_space<hbm>>
    %dma_start3A_593 = arith.constant 0 : i32
    %dma_start3A_594 = arith.constant 0 : i32
    %dma_start3A_595 = tpu.memref_slice %arg6[%dma_start3A_593, %dma_start3A_594] : memref<96x1024xf32, #tpu.memory_space<vmem>> -> memref<16x1024xf32, #tpu.memory_space<vmem>>
    tpu.enqueue_dma source(%dma_start3A_595 : memref<16x1024xf32, #tpu.memory_space<vmem>>) target(%dma_start3A_592 : memref<16x1024xf32, #tpu.memory_space<hbm>>) target_semaphore(%arg13 : memref<!tpu.dma_semaphore, #tpu.memory_space<semaphore_mem>>)
    %dma_wait3A_596 = arith.constant 16 : i32
    %dma_wait3A_597 = arith.constant 0 : i32
    %dma_wait3A_598 = tpu.memref_slice %arg6[%dma_wait3A_596, %dma_wait3A_597] : memref<96x1024xf32, #tpu.memory_space<vmem>> -> memref<16x1024xf32, #tpu.memory_space<vmem>>
    %dma_wait3A_599 = arith.constant 208 : i32
    %dma_wait3A_600 = tpu.memref_slice %arg5[%dma_wait3A_599] : memref<256xi32, #tpu.memory_space<vmem>> -> memref<16xi32, #tpu.memory_space<vmem>>
    %dma_wait3A_601 = arith.constant 0 : i32
    %dma_wait3A_602 = arith.constant 0 : i32
    %dma_wait3A_603 = tpu.memref_slice %arg3[%dma_wait3A_601, %dma_wait3A_602] : memref<100000x1024xf32, #tpu.memory_space<hbm>> -> memref<100000x1024xf32, #tpu.memory_space<hbm>>
    tpu.wait_indirect_dma semaphore(%arg8 : memref<!tpu.dma_semaphore, #tpu.memory_space<semaphore_mem>>) src(%dma_wait3A_603 : memref<100000x1024xf32, #tpu.memory_space<hbm>>) dst(%dma_wait3A_598 : memref<16x1024xf32, #tpu.memory_space<vmem>>)
    %add3A_604 = arith.constant 1 : i32
    %add3A_605 = arith.addi %mul3A_34, %add3A_604 : i32
    %mul3A_606 = arith.constant 2048 : i32
    %mul3A_607 = arith.muli %add3A_605, %mul3A_606 : i32
    %mul3A_608 = arith.constant 128 : i32
    %mul3A_609 = arith.muli %mul3A_608, %select_n3A : i32
    %add3A_610 = arith.addi %mul3A_607, %mul3A_609 : i32
    %add3A_611 = arith.constant 80 : i32
    %add3A_612 = arith.addi %add3A_610, %add3A_611 : i32
    %dma_start3A_613 = arith.constant 16 : i32
    %dma_start3A_614 = arith.constant 0 : i32
    %dma_start3A_615 = tpu.memref_slice %arg6[%dma_start3A_613, %dma_start3A_614] : memref<96x1024xf32, #tpu.memory_space<vmem>> -> memref<16x1024xf32, #tpu.memory_space<vmem>>
    %dma_start3A_616 = arith.constant 0 : i32
    %dma_start3A_617 = tpu.memref_slice %arg4[%add3A_612, %dma_start3A_616] : memref<8192x1024xf32, #tpu.memory_space<hbm>> -> memref<16x1024xf32, #tpu.memory_space<hbm>>
    %dma_start3A_618 = arith.constant 0 : i32
    %dma_start3A_619 = tpu.memref_slice %arg4[%add3A_612, %dma_start3A_618] : memref<8192x1024xf32, #tpu.memory_space<hbm>> -> memref<16x1024xf32, #tpu.memory_space<hbm>>
    %dma_start3A_620 = arith.constant 16 : i32
    %dma_start3A_621 = arith.constant 0 : i32
    %dma_start3A_622 = tpu.memref_slice %arg6[%dma_start3A_620, %dma_start3A_621] : memref<96x1024xf32, #tpu.memory_space<vmem>> -> memref<16x1024xf32, #tpu.memory_space<vmem>>
    tpu.enqueue_dma source(%dma_start3A_622 : memref<16x1024xf32, #tpu.memory_space<vmem>>) target(%dma_start3A_619 : memref<16x1024xf32, #tpu.memory_space<hbm>>) target_semaphore(%arg14 : memref<!tpu.dma_semaphore, #tpu.memory_space<semaphore_mem>>)
    %dma_wait3A_623 = arith.constant 32 : i32
    %dma_wait3A_624 = arith.constant 0 : i32
    %dma_wait3A_625 = tpu.memref_slice %arg6[%dma_wait3A_623, %dma_wait3A_624] : memref<96x1024xf32, #tpu.memory_space<vmem>> -> memref<16x1024xf32, #tpu.memory_space<vmem>>
    %dma_wait3A_626 = arith.constant 224 : i32
    %dma_wait3A_627 = tpu.memref_slice %arg5[%dma_wait3A_626] : memref<256xi32, #tpu.memory_space<vmem>> -> memref<16xi32, #tpu.memory_space<vmem>>
    %dma_wait3A_628 = arith.constant 0 : i32
    %dma_wait3A_629 = arith.constant 0 : i32
    %dma_wait3A_630 = tpu.memref_slice %arg3[%dma_wait3A_628, %dma_wait3A_629] : memref<100000x1024xf32, #tpu.memory_space<hbm>> -> memref<100000x1024xf32, #tpu.memory_space<hbm>>
    tpu.wait_indirect_dma semaphore(%arg9 : memref<!tpu.dma_semaphore, #tpu.memory_space<semaphore_mem>>) src(%dma_wait3A_630 : memref<100000x1024xf32, #tpu.memory_space<hbm>>) dst(%dma_wait3A_625 : memref<16x1024xf32, #tpu.memory_space<vmem>>)
    %add3A_631 = arith.constant 1 : i32
    %add3A_632 = arith.addi %mul3A_34, %add3A_631 : i32
    %mul3A_633 = arith.constant 2048 : i32
    %mul3A_634 = arith.muli %add3A_632, %mul3A_633 : i32
    %mul3A_635 = arith.constant 128 : i32
    %mul3A_636 = arith.muli %mul3A_635, %select_n3A : i32
    %add3A_637 = arith.addi %mul3A_634, %mul3A_636 : i32
    %add3A_638 = arith.constant 96 : i32
    %add3A_639 = arith.addi %add3A_637, %add3A_638 : i32
    %dma_start3A_640 = arith.constant 32 : i32
    %dma_start3A_641 = arith.constant 0 : i32
    %dma_start3A_642 = tpu.memref_slice %arg6[%dma_start3A_640, %dma_start3A_641] : memref<96x1024xf32, #tpu.memory_space<vmem>> -> memref<16x1024xf32, #tpu.memory_space<vmem>>
    %dma_start3A_643 = arith.constant 0 : i32
    %dma_start3A_644 = tpu.memref_slice %arg4[%add3A_639, %dma_start3A_643] : memref<8192x1024xf32, #tpu.memory_space<hbm>> -> memref<16x1024xf32, #tpu.memory_space<hbm>>
    %dma_start3A_645 = arith.constant 0 : i32
    %dma_start3A_646 = tpu.memref_slice %arg4[%add3A_639, %dma_start3A_645] : memref<8192x1024xf32, #tpu.memory_space<hbm>> -> memref<16x1024xf32, #tpu.memory_space<hbm>>
    %dma_start3A_647 = arith.constant 32 : i32
    %dma_start3A_648 = arith.constant 0 : i32
    %dma_start3A_649 = tpu.memref_slice %arg6[%dma_start3A_647, %dma_start3A_648] : memref<96x1024xf32, #tpu.memory_space<vmem>> -> memref<16x1024xf32, #tpu.memory_space<vmem>>
    tpu.enqueue_dma source(%dma_start3A_649 : memref<16x1024xf32, #tpu.memory_space<vmem>>) target(%dma_start3A_646 : memref<16x1024xf32, #tpu.memory_space<hbm>>) target_semaphore(%arg15 : memref<!tpu.dma_semaphore, #tpu.memory_space<semaphore_mem>>)
    %dma_wait3A_650 = arith.constant 48 : i32
    %dma_wait3A_651 = arith.constant 0 : i32
    %dma_wait3A_652 = tpu.memref_slice %arg6[%dma_wait3A_650, %dma_wait3A_651] : memref<96x1024xf32, #tpu.memory_space<vmem>> -> memref<16x1024xf32, #tpu.memory_space<vmem>>
    %dma_wait3A_653 = arith.constant 240 : i32
    %dma_wait3A_654 = tpu.memref_slice %arg5[%dma_wait3A_653] : memref<256xi32, #tpu.memory_space<vmem>> -> memref<16xi32, #tpu.memory_space<vmem>>
    %dma_wait3A_655 = arith.constant 0 : i32
    %dma_wait3A_656 = arith.constant 0 : i32
    %dma_wait3A_657 = tpu.memref_slice %arg3[%dma_wait3A_655, %dma_wait3A_656] : memref<100000x1024xf32, #tpu.memory_space<hbm>> -> memref<100000x1024xf32, #tpu.memory_space<hbm>>
    tpu.wait_indirect_dma semaphore(%arg10 : memref<!tpu.dma_semaphore, #tpu.memory_space<semaphore_mem>>) src(%dma_wait3A_657 : memref<100000x1024xf32, #tpu.memory_space<hbm>>) dst(%dma_wait3A_652 : memref<16x1024xf32, #tpu.memory_space<vmem>>)
    %add3A_658 = arith.constant 1 : i32
    %add3A_659 = arith.addi %mul3A_34, %add3A_658 : i32
    %mul3A_660 = arith.constant 2048 : i32
    %mul3A_661 = arith.muli %add3A_659, %mul3A_660 : i32
    %mul3A_662 = arith.constant 128 : i32
    %mul3A_663 = arith.muli %mul3A_662, %select_n3A : i32
    %add3A_664 = arith.addi %mul3A_661, %mul3A_663 : i32
    %add3A_665 = arith.constant 112 : i32
    %add3A_666 = arith.addi %add3A_664, %add3A_665 : i32
    %dma_start3A_667 = arith.constant 48 : i32
    %dma_start3A_668 = arith.constant 0 : i32
    %dma_start3A_669 = tpu.memref_slice %arg6[%dma_start3A_667, %dma_start3A_668] : memref<96x1024xf32, #tpu.memory_space<vmem>> -> memref<16x1024xf32, #tpu.memory_space<vmem>>
    %dma_start3A_670 = arith.constant 0 : i32
    %dma_start3A_671 = tpu.memref_slice %arg4[%add3A_666, %dma_start3A_670] : memref<8192x1024xf32, #tpu.memory_space<hbm>> -> memref<16x1024xf32, #tpu.memory_space<hbm>>
    %dma_start3A_672 = arith.constant 0 : i32
    %dma_start3A_673 = tpu.memref_slice %arg4[%add3A_666, %dma_start3A_672] : memref<8192x1024xf32, #tpu.memory_space<hbm>> -> memref<16x1024xf32, #tpu.memory_space<hbm>>
    %dma_start3A_674 = arith.constant 48 : i32
    %dma_start3A_675 = arith.constant 0 : i32
    %dma_start3A_676 = tpu.memref_slice %arg6[%dma_start3A_674, %dma_start3A_675] : memref<96x1024xf32, #tpu.memory_space<vmem>> -> memref<16x1024xf32, #tpu.memory_space<vmem>>
    tpu.enqueue_dma source(%dma_start3A_676 : memref<16x1024xf32, #tpu.memory_space<vmem>>) target(%dma_start3A_673 : memref<16x1024xf32, #tpu.memory_space<hbm>>) target_semaphore(%arg16 : memref<!tpu.dma_semaphore, #tpu.memory_space<semaphore_mem>>)
    %dma_wait3A_677 = arith.constant 64 : i32
    %dma_wait3A_678 = arith.constant 0 : i32
    %dma_wait3A_679 = tpu.memref_slice %arg6[%dma_wait3A_677, %dma_wait3A_678] : memref<96x1024xf32, #tpu.memory_space<vmem>> -> memref<16x1024xf32, #tpu.memory_space<vmem>>
    %dma_wait3A_680 = arith.constant 0 : i32
    %dma_wait3A_681 = tpu.memref_slice %arg4[%add3A_513, %dma_wait3A_680] : memref<8192x1024xf32, #tpu.memory_space<hbm>> -> memref<16x1024xf32, #tpu.memory_space<hbm>>
    %dma_wait3A_682 = arith.constant 0 : i32
    %dma_wait3A_683 = tpu.memref_slice %arg4[%add3A_513, %dma_wait3A_682] : memref<8192x1024xf32, #tpu.memory_space<hbm>> -> memref<16x1024xf32, #tpu.memory_space<hbm>>
    %dma_wait3A_684 = arith.constant 64 : i32
    %dma_wait3A_685 = arith.constant 0 : i32
    %dma_wait3A_686 = tpu.memref_slice %arg6[%dma_wait3A_684, %dma_wait3A_685] : memref<96x1024xf32, #tpu.memory_space<vmem>> -> memref<16x1024xf32, #tpu.memory_space<vmem>>
    tpu.wait_dma2 semaphore(%arg17 : memref<!tpu.dma_semaphore, #tpu.memory_space<semaphore_mem>>) src(%dma_wait3A_686 : memref<16x1024xf32, #tpu.memory_space<vmem>>) dst(%dma_wait3A_683 : memref<16x1024xf32, #tpu.memory_space<hbm>>)
    %dma_wait3A_687 = arith.constant 80 : i32
    %dma_wait3A_688 = arith.constant 0 : i32
    %dma_wait3A_689 = tpu.memref_slice %arg6[%dma_wait3A_687, %dma_wait3A_688] : memref<96x1024xf32, #tpu.memory_space<vmem>> -> memref<16x1024xf32, #tpu.memory_space<vmem>>
    %dma_wait3A_690 = arith.constant 0 : i32
    %dma_wait3A_691 = tpu.memref_slice %arg4[%add3A_558, %dma_wait3A_690] : memref<8192x1024xf32, #tpu.memory_space<hbm>> -> memref<16x1024xf32, #tpu.memory_space<hbm>>
    %dma_wait3A_692 = arith.constant 0 : i32
    %dma_wait3A_693 = tpu.memref_slice %arg4[%add3A_558, %dma_wait3A_692] : memref<8192x1024xf32, #tpu.memory_space<hbm>> -> memref<16x1024xf32, #tpu.memory_space<hbm>>
    %dma_wait3A_694 = arith.constant 80 : i32
    %dma_wait3A_695 = arith.constant 0 : i32
    %dma_wait3A_696 = tpu.memref_slice %arg6[%dma_wait3A_694, %dma_wait3A_695] : memref<96x1024xf32, #tpu.memory_space<vmem>> -> memref<16x1024xf32, #tpu.memory_space<vmem>>
    tpu.wait_dma2 semaphore(%arg18 : memref<!tpu.dma_semaphore, #tpu.memory_space<semaphore_mem>>) src(%dma_wait3A_696 : memref<16x1024xf32, #tpu.memory_space<vmem>>) dst(%dma_wait3A_693 : memref<16x1024xf32, #tpu.memory_space<hbm>>)
    %dma_wait3A_697 = arith.constant 0 : i32
    %dma_wait3A_698 = arith.constant 0 : i32
    %dma_wait3A_699 = tpu.memref_slice %arg6[%dma_wait3A_697, %dma_wait3A_698] : memref<96x1024xf32, #tpu.memory_space<vmem>> -> memref<16x1024xf32, #tpu.memory_space<vmem>>
    %dma_wait3A_700 = arith.constant 0 : i32
    %dma_wait3A_701 = tpu.memref_slice %arg4[%add3A_585, %dma_wait3A_700] : memref<8192x1024xf32, #tpu.memory_space<hbm>> -> memref<16x1024xf32, #tpu.memory_space<hbm>>
    %dma_wait3A_702 = arith.constant 0 : i32
    %dma_wait3A_703 = tpu.memref_slice %arg4[%add3A_585, %dma_wait3A_702] : memref<8192x1024xf32, #tpu.memory_space<hbm>> -> memref<16x1024xf32, #tpu.memory_space<hbm>>
    %dma_wait3A_704 = arith.constant 0 : i32
    %dma_wait3A_705 = arith.constant 0 : i32
    %dma_wait3A_706 = tpu.memref_slice %arg6[%dma_wait3A_704, %dma_wait3A_705] : memref<96x1024xf32, #tpu.memory_space<vmem>> -> memref<16x1024xf32, #tpu.memory_space<vmem>>
    tpu.wait_dma2 semaphore(%arg13 : memref<!tpu.dma_semaphore, #tpu.memory_space<semaphore_mem>>) src(%dma_wait3A_706 : memref<16x1024xf32, #tpu.memory_space<vmem>>) dst(%dma_wait3A_703 : memref<16x1024xf32, #tpu.memory_space<hbm>>)
    %dma_wait3A_707 = arith.constant 16 : i32
    %dma_wait3A_708 = arith.constant 0 : i32
    %dma_wait3A_709 = tpu.memref_slice %arg6[%dma_wait3A_707, %dma_wait3A_708] : memref<96x1024xf32, #tpu.memory_space<vmem>> -> memref<16x1024xf32, #tpu.memory_space<vmem>>
    %dma_wait3A_710 = arith.constant 0 : i32
    %dma_wait3A_711 = tpu.memref_slice %arg4[%add3A_612, %dma_wait3A_710] : memref<8192x1024xf32, #tpu.memory_space<hbm>> -> memref<16x1024xf32, #tpu.memory_space<hbm>>
    %dma_wait3A_712 = arith.constant 0 : i32
    %dma_wait3A_713 = tpu.memref_slice %arg4[%add3A_612, %dma_wait3A_712] : memref<8192x1024xf32, #tpu.memory_space<hbm>> -> memref<16x1024xf32, #tpu.memory_space<hbm>>
    %dma_wait3A_714 = arith.constant 16 : i32
    %dma_wait3A_715 = arith.constant 0 : i32
    %dma_wait3A_716 = tpu.memref_slice %arg6[%dma_wait3A_714, %dma_wait3A_715] : memref<96x1024xf32, #tpu.memory_space<vmem>> -> memref<16x1024xf32, #tpu.memory_space<vmem>>
    tpu.wait_dma2 semaphore(%arg14 : memref<!tpu.dma_semaphore, #tpu.memory_space<semaphore_mem>>) src(%dma_wait3A_716 : memref<16x1024xf32, #tpu.memory_space<vmem>>) dst(%dma_wait3A_713 : memref<16x1024xf32, #tpu.memory_space<hbm>>)
    %dma_wait3A_717 = arith.constant 32 : i32
    %dma_wait3A_718 = arith.constant 0 : i32
    %dma_wait3A_719 = tpu.memref_slice %arg6[%dma_wait3A_717, %dma_wait3A_718] : memref<96x1024xf32, #tpu.memory_space<vmem>> -> memref<16x1024xf32, #tpu.memory_space<vmem>>
    %dma_wait3A_720 = arith.constant 0 : i32
    %dma_wait3A_721 = tpu.memref_slice %arg4[%add3A_639, %dma_wait3A_720] : memref<8192x1024xf32, #tpu.memory_space<hbm>> -> memref<16x1024xf32, #tpu.memory_space<hbm>>
    %dma_wait3A_722 = arith.constant 0 : i32
    %dma_wait3A_723 = tpu.memref_slice %arg4[%add3A_639, %dma_wait3A_722] : memref<8192x1024xf32, #tpu.memory_space<hbm>> -> memref<16x1024xf32, #tpu.memory_space<hbm>>
    %dma_wait3A_724 = arith.constant 32 : i32
    %dma_wait3A_725 = arith.constant 0 : i32
    %dma_wait3A_726 = tpu.memref_slice %arg6[%dma_wait3A_724, %dma_wait3A_725] : memref<96x1024xf32, #tpu.memory_space<vmem>> -> memref<16x1024xf32, #tpu.memory_space<vmem>>
    tpu.wait_dma2 semaphore(%arg15 : memref<!tpu.dma_semaphore, #tpu.memory_space<semaphore_mem>>) src(%dma_wait3A_726 : memref<16x1024xf32, #tpu.memory_space<vmem>>) dst(%dma_wait3A_723 : memref<16x1024xf32, #tpu.memory_space<hbm>>)
    %dma_wait3A_727 = arith.constant 48 : i32
    %dma_wait3A_728 = arith.constant 0 : i32
    %dma_wait3A_729 = tpu.memref_slice %arg6[%dma_wait3A_727, %dma_wait3A_728] : memref<96x1024xf32, #tpu.memory_space<vmem>> -> memref<16x1024xf32, #tpu.memory_space<vmem>>
    %dma_wait3A_730 = arith.constant 0 : i32
    %dma_wait3A_731 = tpu.memref_slice %arg4[%add3A_666, %dma_wait3A_730] : memref<8192x1024xf32, #tpu.memory_space<hbm>> -> memref<16x1024xf32, #tpu.memory_space<hbm>>
    %dma_wait3A_732 = arith.constant 0 : i32
    %dma_wait3A_733 = tpu.memref_slice %arg4[%add3A_666, %dma_wait3A_732] : memref<8192x1024xf32, #tpu.memory_space<hbm>> -> memref<16x1024xf32, #tpu.memory_space<hbm>>
    %dma_wait3A_734 = arith.constant 48 : i32
    %dma_wait3A_735 = arith.constant 0 : i32
    %dma_wait3A_736 = tpu.memref_slice %arg6[%dma_wait3A_734, %dma_wait3A_735] : memref<96x1024xf32, #tpu.memory_space<vmem>> -> memref<16x1024xf32, #tpu.memory_space<vmem>>
    tpu.wait_dma2 semaphore(%arg16 : memref<!tpu.dma_semaphore, #tpu.memory_space<semaphore_mem>>) src(%dma_wait3A_736 : memref<16x1024xf32, #tpu.memory_space<vmem>>) dst(%dma_wait3A_733 : memref<16x1024xf32, #tpu.memory_space<hbm>>)
    return
  }
}

module attributes {stable_mosaic.version = 14 : i64} {
  func.func @_aux_body(%arg0: i32, %arg1: memref<1x4x8x2048xf32, #tpu.memory_space<vmem>>, %arg2: memref<4x2048xi32, #tpu.memory_space<vmem>>) attributes {dimension_semantics = [#tpu.dimension_semantics<arbitrary>], iteration_bounds = array<i64: 24>, scalar_prefetch = 0 : i64, scratch_operands = 0 : i64, tpu.core_type = #tpu.core_type<tc>, window_params = [{transform_indices = @transform_0, window_bounds = array<i64: 1, 4, 8, 2048>}, {pipeline_mode = #tpu.pipeline_mode<synchronous>, transform_indices = @transform_1, window_bounds = array<i64: 4, 2048>}]} {
    %broadcast_in_dim3A = arith.constant 0.000000e+00 : f32
    %broadcast_in_dim3A_0 = vector.broadcast %broadcast_in_dim3A : f32 to vector<1x4x8x2048xf32>
    %swap3A = arith.constant 0 : index
    %swap3A_1 = arith.constant 0 : index
    %swap3A_2 = arith.constant 0 : index
    %swap3A_3 = arith.constant 0 : index
    %swap3A_4 = vector.load %arg1[%swap3A, %swap3A_1, %swap3A_2, %swap3A_3] : memref<1x4x8x2048xf32, #tpu.memory_space<vmem>>, vector<1x4x8x2048xf32>
    tpu.vector_store %arg1[%swap3A, %swap3A_1, %swap3A_2, %swap3A_3], %broadcast_in_dim3A_0 {strides = array<i32>} : memref<1x4x8x2048xf32, #tpu.memory_space<vmem>>, vector<1x4x8x2048xf32>,
    %eq3A = arith.constant 0 : i32
    %eq3A_5 = arith.cmpi eq, %arg0, %eq3A : i32
    %convert_element_type3A = arith.extui %eq3A_5 : i1 to i32
    %cond3A = arith.constant 0 : i32
    %cond3A_6 = arith.cmpi ne, %convert_element_type3A, %cond3A : i32
    scf.if %cond3A_6 {
      %iota3A = tpu.iota {dimensions = array<i32: 1>} : vector<4x2048xi32>
      %swap3A_7 = arith.constant 0 : index
      %swap3A_8 = arith.constant 0 : index
      %swap3A_9 = vector.load %arg2[%swap3A_7, %swap3A_8] : memref<4x2048xi32, #tpu.memory_space<vmem>>, vector<4x2048xi32>
      tpu.vector_store %arg2[%swap3A_7, %swap3A_8], %iota3A {strides = array<i32>} : memref<4x2048xi32, #tpu.memory_space<vmem>>, vector<4x2048xi32>,
    } else {
    }
    return
  }
  func.func @transform_0(%arg0: i32) -> (i32, i32, i32, i32) {
    %c0_i32 = arith.constant 0 : i32
    %c0_i32_0 = arith.constant 0 : i32
    %c0_i32_1 = arith.constant 0 : i32
    %c0_i32_2 = arith.constant 0 : i32
    return %arg0, %c0_i32, %c0_i32_0, %c0_i32_1 : i32, i32, i32, i32
  }
  func.func @transform_1(%arg0: i32) -> (i32, i32) {
    %c0_i32 = arith.constant 0 : i32
    %c0_i32_0 = arith.constant 0 : i32
    %c0_i32_1 = arith.constant 0 : i32
    return %c0_i32, %c0_i32_0 : i32, i32
  }
}

</mosaic_0001>

<sc_bundles>
// kernel: kernel.4.cloned.1.call-start
scs
__scs_entry_jumppad:
0x0: {  	(pc) =	sbr.rel $0x88, $3  }
0x1: {  	(tag) =	ssettag $0x0;
	lr =	simm.s32 $0x1  }
0x2: {  	[smem:$0x3F9F] =	sst lr;
	_ =	strace $0xD0000000  }
0x3: {  	_ = 	snop  }
0x4: {  	_ = 	snop  }
0x5: {  	_ = 	snop  }
0x6: {  	_ = 	snop  }
0x7: {  	_ = 	snop  }
__scs_overlays_trampoline_lowered:
0x8: {  	[smem:$0x3FAE] =	sst s0  }
0x9: {  	[smem:$0x3FAF] =	sst s1  }
0xa: {  	[smem:$0x3FB0] =	sst s2  }
0xb: {  	[smem:$0x3FB1] =	sst s3  }
0xc: {  	[smem:$0x3FB2] =	sst s4  }
0xd: {  	[smem:$0x3FB3] =	sst s5  }
0xe: {  	[smem:$0x3FB4] =	sst s6  }
0xf: {  	[smem:$0x3FB5] =	sst s7  }
0x10: {  	[smem:$0x3FB6] =	sst s8  }
0x11: {  	[smem:$0x3FB7] =	sst s9;
	s0 =	simm.s32 @!p0 $0x0  }
0x12: {  	s1 =	sld [smem:$0x3F9D];
	s0 =	simm.s32 @p0 $0x1  }
0x13: {  	[smem:$0x3FB8] =	sst s0;
	s0 =	simm.s32 @!p1 $0x0  }
0x14: {  	s2 =	sld [smem:$0x3F9C];
	s0 =	simm.s32 @p1 $0x1  }
0x15: {  	[smem:$0x3FB9] =	sst s0;
	s0 =	simm.s32 @!p2 $0x0  }
0x16: {  	s3 =	sld [smem:$0x3FDB];
	s0 =	simm.s32 @p2 $0x1  }
0x17: {  	s4 =	simm.s32 $0x1BF5;
	[smem:$0x3FBB] =	sst s0  }
0x18: {  	s0 =	sld [smem:$0x3F9E];
	_ =	swait.ge [sflag:s4], $0x0  }
0x19: {  	s7 =	sld [smem:$0x3F9F]  }
0x1a: {  	s8 =	sadd.s32 $0xFFFFE003, lr  }
0x1b: {  	s9 =	sadd.s32 $0xFFFFFEF7, lr;
	s5 =	simm.s32 $0xFFFFFFFF;
	p2 =	slt.u32 s8, $0xFFFFF086  }
0x1c: {  	p1 =	slt.u32 s9, $0xF7A;
	s5 =	simm.s32 @!p2 $0x0  }
0x1d: {  	s5 =	simm.s32 @p1 $0x1;
	p0 =	seq.s32 s7, s2  }
0x1e: {  	s7 =	smul.u32 @!p0 $0xF7A, s2;
	p2 =	seq.s32 @!p0 s5, $0x0  }
0x1f: {  	s9 =	smul.u32 $0xF7A, s1;
	s8 =	simm.s32 @!p0 $0x1BF5;
	p2 =	por !p2, p0  }
0x20: {  	[sflag:s8] =	ssyncset.s32 @!p0 $0xFFFFF086;
	s6 =	sadd.s32 @!p0 s3, s7;
	s7 =	simm.s32 @!p0 $0x108  }
0x21: {  	s3 =	sadd.s32 s3, s9;
	s6 =	sadd.s32 @!p0 $0x88, s6;
	s7 =	simm.s32 @p2 $0x1082  }
0x22: {  	[simem:s7], [sflag:s8] =	dma.local @!p0 [hbm:s6], $0xF7A  }
0x23: {  	s9 =	sor.u32 $0xD0000000, s2;
	s6 =	simm.s32 $0x108;
	_ =	swait.ge @!p0 [sflag:s8], $0x0  }
0x24: {  	s3 =	sadd.s32 $0x88, s3;
	s6 =	simm.s32 @!p1 $0x1082;
	[sflag:s4] =	ssyncset.s32 $0xFFFFF086  }
0x25: {  	[simem:s6], [sflag:s4] =	dma.local [hbm:s3], $0xF7A  }
0x26: {  	[smem:$0x3F9F] =	sst s1;
	(tag) =	ssettag s2;
	_ =	strace s9  }
0x27: {  	s1 =	sld [smem:$0x3FAF]  }
0x28: {  	s2 =	sld [smem:$0x3FB0]  }
0x29: {  	s4 =	sld [smem:$0x3FB2]  }
0x2a: {  	p0 =	seq.s32 s5, $0x0;
	s5 =	sld [smem:$0x3FB3]  }
0x2b: {  	s6 =	sld [smem:$0x3FB4]  }
0x2c: {  	s7 =	sld [smem:$0x3FB5]  }
0x2d: {  	s3 =	simm.s32 $0x108;
	s8 =	sld [smem:$0x3FB6]  }
0x2e: {  	s3 =	simm.s32 @!p0 $0x1082;
	s9 =	sld [smem:$0x3FB7]  }
0x2f: {  	lr =	sadd.s32 s0, s3;
	s0 =	sld [smem:$0x3FAE]  }
0x30: {  	s3 =	sld [smem:$0x3FB1]  }
0x31: {  	[smem:$0x3FBA] =	sst s10  }
0x32: {  	s10 =	sld [smem:$0x3FB8];
	_ =	sdelay $0x3  }
0x33: {  	p0 =	seq.s32 s10, $0x1;
	s10 =	sld [smem:$0x3FBA];
	_ =	sdelay $0x3  }
0x34: {  	[smem:$0x3FBA] =	sst s10  }
0x35: {  	s10 =	sld [smem:$0x3FB9];
	_ =	sdelay $0x3  }
0x36: {  	p1 =	seq.s32 s10, $0x1;
	s10 =	sld [smem:$0x3FBA];
	_ =	sdelay $0x3  }
0x37: {  	[smem:$0x3FBA] =	sst s10  }
0x38: {  	s10 =	sld [smem:$0x3FBB]  }
0x39: {  	_ = 	snop;
	(pc) =	sbr.ind lr, $3  }
0x3a: {  	_ = 	snop  }
0x3b: {  	_ = 	snop  }
0x3c: {  	p2 =	seq.s32 s10, $0x1;
	s10 =	sld [smem:$0x3FBA]  }
0x3d: {  	_ =	shalt  }
0x3e: {  	_ =	shalt  }
0x3f: {  	_ =	shalt  }
0x40: {  	_ =	shalt  }
0x41: {  	_ =	shalt  }
0x42: {  	_ =	shalt  }
0x43: {  	_ =	shalt  }
0x44: {  	_ =	shalt  }
0x45: {  	_ =	shalt  }
0x46: {  	_ =	shalt  }
0x47: {  	_ =	shalt  }
0x48: {  	_ =	shalt  }
0x49: {  	_ =	shalt  }
0x4a: {  	_ =	shalt  }
0x4b: {  	_ =	shalt  }
0x4c: {  	_ =	shalt  }
0x4d: {  	_ =	shalt  }
0x4e: {  	_ =	shalt  }
0x4f: {  	_ =	shalt  }
0x50: {  	_ =	shalt  }
0x51: {  	_ =	shalt  }
0x52: {  	_ =	shalt  }
0x53: {  	_ =	shalt  }
0x54: {  	_ =	shalt  }
0x55: {  	_ =	shalt  }
0x56: {  	_ =	shalt  }
0x57: {  	_ =	shalt  }
0x58: {  	_ =	shalt  }
0x59: {  	_ =	shalt  }
0x5a: {  	_ =	shalt  }
0x5b: {  	_ =	shalt  }
0x5c: {  	_ =	shalt  }
0x5d: {  	_ =	shalt  }
0x5e: {  	_ =	shalt  }
0x5f: {  	_ =	shalt  }
0x60: {  	_ =	shalt  }
0x61: {  	_ =	shalt  }
0x62: {  	_ =	shalt  }
0x63: {  	_ =	shalt  }
0x64: {  	_ =	shalt  }
0x65: {  	_ =	shalt  }
0x66: {  	_ =	shalt  }
0x67: {  	_ =	shalt  }
0x68: {  	_ =	shalt  }
0x69: {  	_ =	shalt  }
0x6a: {  	_ =	shalt  }
0x6b: {  	_ =	shalt  }
0x6c: {  	_ =	shalt  }
0x6d: {  	_ =	shalt  }
0x6e: {  	_ =	shalt  }
0x6f: {  	_ =	shalt  }
0x70: {  	_ =	shalt  }
0x71: {  	_ =	shalt  }
0x72: {  	_ =	shalt  }
0x73: {  	_ =	shalt  }
0x74: {  	_ =	shalt  }
0x75: {  	_ =	shalt  }
0x76: {  	_ =	shalt  }
0x77: {  	_ =	shalt  }
0x78: {  	_ =	shalt  }
0x79: {  	_ =	shalt  }
0x7a: {  	_ =	shalt  }
0x7b: {  	_ =	shalt  }
0x7c: {  	_ =	shalt  }
0x7d: {  	_ =	shalt  }
0x7e: {  	_ =	shalt  }
0x7f: {  	_ =	shalt  }
0x80: {  	_ =	shalt  }
0x81: {  	_ =	shalt  }
0x82: {  	_ =	shalt  }
0x83: {  	_ =	shalt  }
0x84: {  	_ =	shalt  }
0x85: {  	_ =	shalt  }
0x86: {  	_ =	shalt  }
0x87: {  	_ =	shalt  }
.Lfunc_end0:
.L_simem_size_0:
called_computation_lowered:
.L_overlay_start_0:
0x88: {  	s2 =	sld [smem:$0x3FD9]  }
0x89: {  	s3 =	sld [smem:$0x3FFE];
	_ =	sdelay $0x1  }
0x8a: {  	s1 =	srdreg.scid  }
0x8b: {  	s0 =	sand.u32 $0x1, s1  }
0x8c: {  	s15 =	sshll.u32 s0, $0xA;
	s2 =	sadd.s32 s3, s2  }
0x8d: {  	s2 =	sadd.s32 s2, s15  }
0x8e: {  	[smem:$0x3FC6] =	sst s2  }
0x8f: {  	_ = 	snop  }
0x90: {  	s2 =	sld [smem:$0x3FD0];
	_ =	sdelay $0x1  }
0x91: {  	s16 =	sld [smem:$0x3FC9]  }
0x92: {  	s5 =	simm.s32 $0xA;
	s6 =	simm.s32 $0x10;
	s4 =	sld [smem:$0x3FC8]  }
0x93: {  	[smem:s6], [sflag:s5] =	dma.local [hbm:s2], $0x1  }
0x94: {  	_ =	swait.eq [sflag:s5], $0x1  }
0x95: {  	[sflag:s5] =	ssyncset.done $0x0  }
0x96: {  	[sflag:s5] =	ssyncadd.s32 $0xFFFFFFFF  }
0x97: {  	s17 =	sld [smem:$0x10];
	(tm) =	ssettm $0x1  }
0x98: {  	s18 =	sld [smem:$0x3FFB];
	_ =	sdelay $0x3  }
0x99: {  	_ =	strace s18  }
0x9a: {  	s5 =	sld [smem:$0x3FFC];
	_ =	sdelay $0x3  }
0x9b: {  	_ =	strace s5  }
0x9c: {  	s5 =	sld [smem:$0x3FFD];
	_ =	sdelay $0x3  }
0x9d: {  	_ =	strace s5  }
0x9e: {  	_ =	strace $0x8FFFFFFF  }
0x9f: {  	s19 =	sld [smem:$0x3FDB];
	_ =	sdelay $0x1  }
0xa0: {  	s20 =	simm.s32 $_scs_section_size  }
0xa1: {  	s7 =	simm.s32 $_size__tile_overlayer_lowered;
	s8 =	simm.s32 $_tile_overlayer_lowered  }
0xa2: {  	s23 =	simm.s32 $0x1BFF;
	s22 =	sshll.u32 s8, $0x1;
	s5 =	sadd.s32 s20, s19  }
0xa3: {  	s9 =	simm.s32 $0x0;
	s21 =	sshll.u32 s7, $0x1;
	s7 =	sadd.s32 s22, s5  }
0xa4: {  	[timem:s9], [sflag:s23] =	dma.local [hbm:s7], s21  }
0xa5: {  	_ =	swait.ge [sflag:s23], s21  }
0xa6: {  	s6 =	ssub.s32 $0x0, s21;
	[sflag:s23] =	ssyncset.done $0x0  }
0xa7: {  	[sflag:s23] =	ssyncadd.s32 s6;
	_ =	sdelay $0x1  }
0xa8: {  	s24 =	simm.s32 $0x1B8B  }
0xa9: {  	_ =	swait.ge [sflag:s24], $0x1  }
0xaa: {  	[sflag:s24] =	ssyncset.done $0x0  }
0xab: {  	s25 =	simm.s32 $0x1B8E;
	[sflag:s24] =	ssyncadd.s32 $0xFFFFFFFF  }
0xac: {  	s26 =	simm.s32 $execute0_lowered;
	[smem:$0x3FD2] =	sst s25  }
0xad: {  	s6 =	sshll.u32 s26, $0x1;
	_ =	strace $0x80000046;
	[dreg:$0x1] =	wrdreg $0xFFFFFFFF  }
0xae: {  	s28 =	simm.s32 $_size_execute0_lowered;
	s5 =	sadd.s32 s5, s6;
	[dreg:$0x0] =	wrdreg $0x0  }
0xaf: {  	s6 =	sshll.u32 s28, $0x1;
	[dreg:$0x2] =	wrdreg s5  }
0xb0: {  	[dreg:$0x3] =	wrdreg s6  }
0xb1: {  	[dreg:$0x4] =	wrdreg $0xC0  }
0xb2: {  	_ =	task [dreg:s9], $0x5FFFF  }
0xb3: {  	[dreg:$0x1] =	wrdreg $0xFFFFFFFF  }
0xb4: {  	[dreg:$0x0] =	wrdreg $0x60  }
0xb5: {  	[dreg:$0x2] =	wrdreg s16  }
0xb6: {  	[dreg:$0x3] =	wrdreg s4  }
0xb7: {  	[dreg:$0x4] =	wrdreg s17  }
0xb8: {  	[dreg:$0x5] =	wrdreg $0x9  }
0xb9: {  	_ =	task.clear_ibuf [dreg:s9], $0x6FFFF;
	_ =	strace $0x90000046  }
0xba: {  	s29 =	simm.s32 $0x9;
	_ =	strace $0x80000048  }
0xbb: {  	_ =	swait.ge [sflag:s29], $0x1  }
0xbc: {  	[sflag:s29] =	ssyncadd.s32 $0xFFFFFFFF  }
0xbd: {  	_ =	strace $0x90000048  }
0xbe: {  	_ =	sfence  }
0xbf: {  	s30 =	sld [smem:$0x0];
	_ =	sdelay $0x2  }
0xc0: {  	s31 =	sshll.u32 s1, $0xD;
	s1 =	sshrl.u32 s1, $0x2  }
0xc1: {  	s3 =	sand.u32 $0x4000, s31;
	s1 =	sadd.s32 s1, s30  }
0xc2: {  	s0 =	sor.u32 s3, s0;
	s1 =	sshll.u32 s1, $0x11  }
0xc3: {  	s0 =	sor.u32 s1, s0  }
0xc4: {  	s0 =	sadd.s32 $0x8F2B, s0  }
0xc5: {  	[sflag:s0] =	ssyncadd.remote.s32 $0x1  }
0xc6: {  	_ =	sfence.sel $0xFFFF  }
0xc7: {  	[dreg:$0x0] =	wrdreg $0xFFFFFFFF;
	(pc) =	sbr.abs _section_cstart, $3  }
0xc8: {  	[dreg:$0x1] =	wrdreg $0xFFFFFFFF  }
0xc9: {  	_ =	task.clear_ibuf [dreg:s9], $0x2FFFF;
	_ =	strace $0x9FFFFFFF  }
0xca: {  	(tm) =	ssettm $0x7FFFFFFF  }
0xcb: {  	_ =	shalt  }
tec
execute0_lowered:
.L_overlay_start_1:
0x0: {  	(tag) =	ssettag $0x1  }
0x1: {  	s0 =	srdreg.scid;
	s4 =	rddreg [dreg:$0x0]  }
0x2: {  	s7 =	stileid.u32;
	s2 =	rddreg [dreg:$0x1]  }
0x3: {  	s5 =	rddreg [dreg:$0x2];
	s6 =	simm.s32 $0x1;
	s3 =	simm.s32 $0x0  }
0x4: {  	s28 =	simm.s32 $0x4;
	s0 =	sand.u32 $0x1, s0;
	s1 =	sshll.u32 s7, $0x1  }
0x5: {  	s29 =	simm.s32 $0x9;
	s31 =	simm.s32 $0xA;
	s1 =	sor.u32 s0, s1  }
0x6: {  	s30 =	simm.s32 $0x8100;
	p1 =	seq.s32 s0, $0x1;
	p0 =	seq.s32 s1, $0x0  }
0x7: {  	[smem:$0x7FF] =	sst s3;
	s26 =	sadd.s32 $0x800, s5;
	p0 =	por !p0, !p1  }
0x8: {  	s8 =	sadd.s32 $0x1000, s5;
	s9 =	sadd.s32 $0x1800, s5;
	p0 =	por !p0, !p0  }
0x9: {  	s10 =	sadd.s32 $0x2000, s5;
	s11 =	sadd.s32 $0x2800, s5;
	s6 =	simm.s32 @!p0 $0x0  }
0xa: {  	s22 =	sshll.u32 s0, $0xC;
	s1 =	sshll.u32 s1, $0x5;
	s6 =	ssub.s32 s7, s6  }
0xb: {  	_ =	strace $0x80000047;
	s1 =	sadd.s32 s4, s1;
	s6 =	sshll.u32 s6, $0x7  }
0xc: {  	s0 =	ssub.s32 $0x2, s0;
	[dreg:$0x4] =	wrdreg s1;
	s23 =	sadd.s32 s22, s6  }
0xd: {  	s7 =	sadd.s32 $0x300, s2;
	s22 =	sshrl.u32 s0, $0x1;
	s24 =	sshll.u32 s23, $0x7  }
0xe: {  	s6 =	sadd.s32 $0x200, s2;
	s4 =	sadd.s32 s5, s24;
	s25 =	sand.u32 $0x1FFFC000, s24  }
0xf: {  	s0 =	ssub.s32 s0, s22;
	[dreg:$0x5] =	wrdreg s4;
	s12 =	sadd.s32 s25, s26  }
0x10: {  	s22 =	simm.s32 $0x2;
	s13 =	sadd.s32 s25, s8;
	[dreg:$0x6] =	wrdreg s12  }
0x11: {  	s1 =	sadd.s32 $0x40000, s24;
	s14 =	sadd.s32 s25, s9;
	[dreg:$0x7] =	wrdreg s13  }
0x12: {  	s15 =	sadd.s32 s25, s10;
	s16 =	sadd.s32 s25, s11;
	[dreg:$0x8] =	wrdreg s14  }
0x13: {  	s19 =	sadd.s32 s5, s1;
	s1 =	sand.u32 $0x1FFFC000, s1;
	[dreg:$0x9] =	wrdreg s15  }
0x14: {  	s12 =	sadd.s32 $0x3000, s5;
	[dreg:$0xa] =	wrdreg s16;
	s13 =	sadd.s32 $0x3800, s5  }
0x15: {  	[dreg:$0xd] =	wrdreg s19;
	s20 =	sadd.s32 s1, s26;
	s21 =	sadd.s32 s1, s8  }
0x16: {  	s23 =	sadd.s32 s1, s9;
	s24 =	sadd.s32 s1, s10;
	s5 =	sadd.s32 $0x100, s2  }
0x17: {  	s8 =	smax.u32 s0, $0x1;
	s10 =	simm.s32 $0xC100;
	[dreg:$0xe] =	wrdreg s20  }
0x18: {  	s14 =	simm.s32 $0x12100;
	s15 =	simm.s32 $0x12900;
	[dreg:$0xf] =	wrdreg s21  }
0x19: {  	s16 =	simm.s32 $0x13100;
	s19 =	simm.s32 $0x14100;
	[dreg:$0x10] =	wrdreg s23  }
0x1a: {  	s17 =	sadd.s32 s25, s12;
	s18 =	sadd.s32 s25, s13;
	[dreg:$0x11] =	wrdreg s24  }
0x1b: {  	s20 =	simm.s32 $0x1;
	s25 =	sadd.s32 s1, s11;
	[dreg:$0xb] =	wrdreg s17  }
0x1c: {  	s26 =	sadd.s32 s1, s12;
	s1 =	sadd.s32 s1, s13;
	[dreg:$0xc] =	wrdreg s18  }
0x1d: {  	s23 =	simm.s32 $0x7;
	s24 =	simm.s32 $0x3;
	[dreg:$0x12] =	wrdreg s25  }
0x1e: {  	v2 =	vlaneseq.u32;
	s11 =	simm.s32 $0x10100;
	s21 =	simm.s32 $0x10900;
	[dreg:$0x13] =	wrdreg s26  }
0x1f: {  	vm0 =	vmmov $0xffff;
	v1 =	vshrl.u32 v2, $0x3;
	s13 =	simm.s32 $0x11900;
	[dreg:$0x14] =	wrdreg s1;
	s25 =	simm.s32 $0x8  }
0x20: {  	v0 =	vand.u32 $0x7, v2;
	v2 =	vor.u32 $0x8, v2;
	v1 =	vmul.u32 $0x8, v1;
	s18 =	simm.s32 $0x100;
	s26 =	simm.s32 $0x4100;
	s17 =	simm.s32 $0x13900  }
.LBB2_1:
0x21: {  	s12 =	rddreg [dreg:$0x4];
	s9 =	simm.s32 $0xD  }
0x22: {  	[tilespmem:s3], [sflag:$0xD] =	stream.linear.gather [hbm4b:s12+s3], $0x100, $0x38;
	[tilespmem:$0x18100] =	vst v63  }
0x23: {  	_ =	swait.ge [sflag:s9], $0x100  }
0x24: {  	[sflag:s9] =	ssyncset.done $0x0  }
0x25: {  	[sflag:s9] =	ssyncadd.s32 $0xFFFFFF00  }
0x26: {  	v3 =	vld [tilespmem:$0x0];
	_ =	sdelay $0x4  }
0x27: {  	v4 =	vshll.u32 v3, $0x3  }
0x28: {  	v3 =	vand.u32 $0x7, v3;
	v4 =	vand.u32 $0xFFFFFFC0, v4  }
0x29: {  	v3 =	vor.u32 v3, v4  }
0x2a: {  	v4 =	vperm.xlane v3, v0;
	_ =	sdelay $0x1  }
0x2b: {  	v4 =	vadd.s32 v1, v4;
	_ =	sdelay $0x4  }
0x2c: {  	[tilespmem:s18], [sflag:$0x1] =	stream.indirect_vreg.gather [hbm4b:s2+s3], $0x80, v4, vm0, $0xb8;
	[tilespmem:$0x18100] =	vst v63  }
0x2d: {  	s0 =	simm.s32 $0x900;
	v3 =	vperm.xlane v3, v2  }
0x2e: {  	[tilespmem:s0], [sflag:$0x1] =	stream.indirect_vreg.gather [hbm4b:s5+s3], $0x80, v4, vm0, $0xb8;
	[tilespmem:$0x18100] =	vst v63  }
0x2f: {  	s12 =	simm.s32 $0x1100;
	v3 =	vadd.s32 v1, v3  }
0x30: {  	[tilespmem:s12], [sflag:$0x1] =	stream.indirect_vreg.gather [hbm4b:s6+s3], $0x80, v4, vm0, $0xb8;
	[tilespmem:$0x18100] =	vst v63  }
0x31: {  	s4 =	simm.s32 $0x1900  }
0x32: {  	[tilespmem:s4], [sflag:$0x1] =	stream.indirect_vreg.gather [hbm4b:s7+s3], $0x80, v4, vm0, $0xb8;
	[tilespmem:$0x18100] =	vst v63  }
0x33: {  	s9 =	simm.s32 $0x2100  }
0x34: {  	[tilespmem:s9], [sflag:$0x1] =	stream.indirect_vreg.gather [hbm4b:s2+s3], $0x80, v3, vm0, $0xb8;
	[tilespmem:$0x18100] =	vst v63  }
0x35: {  	s12 =	simm.s32 $0x2900  }
0x36: {  	[tilespmem:s12], [sflag:$0x1] =	stream.indirect_vreg.gather [hbm4b:s5+s3], $0x80, v3, vm0, $0xb8;
	[tilespmem:$0x18100] =	vst v63  }
0x37: {  	s4 =	simm.s32 $0x3100  }
0x38: {  	[tilespmem:s4], [sflag:$0x1] =	stream.indirect_vreg.gather [hbm4b:s6+s3], $0x80, v3, vm0, $0xb8;
	[tilespmem:$0x18100] =	vst v63  }
0x39: {  	s9 =	simm.s32 $0x3900  }
0x3a: {  	[tilespmem:s9], [sflag:$0x1] =	stream.indirect_vreg.gather [hbm4b:s7+s3], $0x80, v3, vm0, $0xb8;
	[tilespmem:$0x18100] =	vst v63  }
0x3b: {  	v3 =	vld [tilespmem:$0x10];
	_ =	sdelay $0x4  }
0x3c: {  	v49 =	vshll.u32 v3, $0x3  }
0x3d: {  	v3 =	vand.u32 $0x7, v3;
	v4 =	vand.u32 $0xFFFFFFC0, v49  }
0x3e: {  	v3 =	vor.u32 v3, v4  }
0x3f: {  	v4 =	vperm.xlane v3, v0;
	_ =	sdelay $0x1  }
0x40: {  	v4 =	vadd.s32 v1, v4;
	_ =	sdelay $0x4  }
0x41: {  	[tilespmem:s26], [sflag:$0x2] =	stream.indirect_vreg.gather [hbm4b:s2+s3], $0x80, v4, vm0, $0xb8;
	[tilespmem:$0x18100] =	vst v63  }
0x42: {  	s12 =	simm.s32 $0x4900;
	v3 =	vperm.xlane v3, v2  }
0x43: {  	[tilespmem:s12], [sflag:$0x2] =	stream.indirect_vreg.gather [hbm4b:s5+s3], $0x80, v4, vm0, $0xb8;
	[tilespmem:$0x18100] =	vst v63  }
0x44: {  	s9 =	simm.s32 $0x5100;
	v3 =	vadd.s32 v1, v3  }
0x45: {  	[tilespmem:s9], [sflag:$0x2] =	stream.indirect_vreg.gather [hbm4b:s6+s3], $0x80, v4, vm0, $0xb8;
	[tilespmem:$0x18100] =	vst v63  }
0x46: {  	s12 =	simm.s32 $0x5900  }
0x47: {  	[tilespmem:s12], [sflag:$0x2] =	stream.indirect_vreg.gather [hbm4b:s7+s3], $0x80, v4, vm0, $0xb8;
	[tilespmem:$0x18100] =	vst v63  }
0x48: {  	s9 =	simm.s32 $0x6100  }
0x49: {  	[tilespmem:s9], [sflag:$0x2] =	stream.indirect_vreg.gather [hbm4b:s2+s3], $0x80, v3, vm0, $0xb8;
	[tilespmem:$0x18100] =	vst v63  }
0x4a: {  	s12 =	simm.s32 $0x6900  }
0x4b: {  	[tilespmem:s12], [sflag:$0x2] =	stream.indirect_vreg.gather [hbm4b:s5+s3], $0x80, v3, vm0, $0xb8;
	[tilespmem:$0x18100] =	vst v63  }
0x4c: {  	s9 =	simm.s32 $0x7100  }
0x4d: {  	[tilespmem:s9], [sflag:$0x2] =	stream.indirect_vreg.gather [hbm4b:s6+s3], $0x80, v3, vm0, $0xb8;
	[tilespmem:$0x18100] =	vst v63  }
0x4e: {  	s12 =	simm.s32 $0x7900  }
0x4f: {  	[tilespmem:s12], [sflag:$0x2] =	stream.indirect_vreg.gather [hbm4b:s7+s3], $0x80, v3, vm0, $0xb8;
	[tilespmem:$0x18100] =	vst v63  }
0x50: {  	v3 =	vld [tilespmem:$0x20];
	_ =	sdelay $0x4  }
0x51: {  	v50 =	vshll.u32 v3, $0x3  }
0x52: {  	v3 =	vand.u32 $0x7, v3;
	v4 =	vand.u32 $0xFFFFFFC0, v50  }
0x53: {  	v3 =	vor.u32 v3, v4  }
0x54: {  	v4 =	vperm.xlane v3, v0;
	_ =	sdelay $0x1  }
0x55: {  	v4 =	vadd.s32 v1, v4;
	_ =	sdelay $0x4  }
0x56: {  	[tilespmem:s30], [sflag:$0x3] =	stream.indirect_vreg.gather [hbm4b:s2+s3], $0x80, v4, vm0, $0xb8;
	[tilespmem:$0x18100] =	vst v63  }
0x57: {  	s9 =	simm.s32 $0x8900;
	v3 =	vperm.xlane v3, v2  }
0x58: {  	[tilespmem:s9], [sflag:$0x3] =	stream.indirect_vreg.gather [hbm4b:s5+s3], $0x80, v4, vm0, $0xb8;
	[tilespmem:$0x18100] =	vst v63  }
0x59: {  	s12 =	simm.s32 $0x9100;
	v3 =	vadd.s32 v1, v3  }
0x5a: {  	[tilespmem:s12], [sflag:$0x3] =	stream.indirect_vreg.gather [hbm4b:s6+s3], $0x80, v4, vm0, $0xb8;
	[tilespmem:$0x18100] =	vst v63  }
0x5b: {  	s9 =	simm.s32 $0x9900  }
0x5c: {  	[tilespmem:s9], [sflag:$0x3] =	stream.indirect_vreg.gather [hbm4b:s7+s3], $0x80, v4, vm0, $0xb8;
	[tilespmem:$0x18100] =	vst v63  }
0x5d: {  	s12 =	simm.s32 $0xA100  }
0x5e: {  	[tilespmem:s12], [sflag:$0x3] =	stream.indirect_vreg.gather [hbm4b:s2+s3], $0x80, v3, vm0, $0xb8;
	[tilespmem:$0x18100] =	vst v63  }
0x5f: {  	s9 =	simm.s32 $0xA900  }
0x60: {  	[tilespmem:s9], [sflag:$0x3] =	stream.indirect_vreg.gather [hbm4b:s5+s3], $0x80, v3, vm0, $0xb8;
	[tilespmem:$0x18100] =	vst v63  }
0x61: {  	s12 =	simm.s32 $0xB100  }
0x62: {  	[tilespmem:s12], [sflag:$0x3] =	stream.indirect_vreg.gather [hbm4b:s6+s3], $0x80, v3, vm0, $0xb8;
	[tilespmem:$0x18100] =	vst v63  }
0x63: {  	s9 =	simm.s32 $0xB900  }
0x64: {  	[tilespmem:s9], [sflag:$0x3] =	stream.indirect_vreg.gather [hbm4b:s7+s3], $0x80, v3, vm0, $0xb8;
	[tilespmem:$0x18100] =	vst v63  }
0x65: {  	v3 =	vld [tilespmem:$0x30];
	_ =	sdelay $0x4  }
0x66: {  	v51 =	vshll.u32 v3, $0x3  }
0x67: {  	v3 =	vand.u32 $0x7, v3;
	v4 =	vand.u32 $0xFFFFFFC0, v51  }
0x68: {  	v3 =	vor.u32 v3, v4  }
0x69: {  	v4 =	vperm.xlane v3, v0;
	_ =	sdelay $0x1  }
0x6a: {  	v4 =	vadd.s32 v1, v4;
	_ =	sdelay $0x4  }
0x6b: {  	[tilespmem:s10], [sflag:$0x4] =	stream.indirect_vreg.gather [hbm4b:s2+s3], $0x80, v4, vm0, $0xb8;
	[tilespmem:$0x18100] =	vst v63  }
0x6c: {  	s12 =	simm.s32 $0xC900;
	v3 =	vperm.xlane v3, v2  }
0x6d: {  	[tilespmem:s12], [sflag:$0x4] =	stream.indirect_vreg.gather [hbm4b:s5+s3], $0x80, v4, vm0, $0xb8;
	[tilespmem:$0x18100] =	vst v63  }
0x6e: {  	s9 =	simm.s32 $0xD100;
	v3 =	vadd.s32 v1, v3  }
0x6f: {  	[tilespmem:s9], [sflag:$0x4] =	stream.indirect_vreg.gather [hbm4b:s6+s3], $0x80, v4, vm0, $0xb8;
	[tilespmem:$0x18100] =	vst v63  }
0x70: {  	s12 =	simm.s32 $0xD900  }
0x71: {  	[tilespmem:s12], [sflag:$0x4] =	stream.indirect_vreg.gather [hbm4b:s7+s3], $0x80, v4, vm0, $0xb8;
	[tilespmem:$0x18100] =	vst v63  }
0x72: {  	s9 =	simm.s32 $0xE100  }
0x73: {  	[tilespmem:s9], [sflag:$0x4] =	stream.indirect_vreg.gather [hbm4b:s2+s3], $0x80, v3, vm0, $0xb8;
	[tilespmem:$0x18100] =	vst v63  }
0x74: {  	s12 =	simm.s32 $0xE900  }
0x75: {  	[tilespmem:s12], [sflag:$0x4] =	stream.indirect_vreg.gather [hbm4b:s5+s3], $0x80, v3, vm0, $0xb8;
	[tilespmem:$0x18100] =	vst v63  }
0x76: {  	s9 =	simm.s32 $0xF100  }
0x77: {  	[tilespmem:s9], [sflag:$0x4] =	stream.indirect_vreg.gather [hbm4b:s6+s3], $0x80, v3, vm0, $0xb8;
	[tilespmem:$0x18100] =	vst v63  }
0x78: {  	s12 =	simm.s32 $0xF900  }
0x79: {  	[tilespmem:s12], [sflag:$0x4] =	stream.indirect_vreg.gather [hbm4b:s7+s3], $0x80, v3, vm0, $0xb8;
	[tilespmem:$0x18100] =	vst v63  }
0x7a: {  	v3 =	vld [tilespmem:$0x40];
	_ =	sdelay $0x4  }
0x7b: {  	v52 =	vshll.u32 v3, $0x3  }
0x7c: {  	v3 =	vand.u32 $0x7, v3;
	v4 =	vand.u32 $0xFFFFFFC0, v52  }
0x7d: {  	v3 =	vor.u32 v3, v4  }
0x7e: {  	v4 =	vperm.xlane v3, v0;
	_ =	sdelay $0x1  }
0x7f: {  	v4 =	vadd.s32 v1, v4;
	_ =	sdelay $0x4  }
0x80: {  	[tilespmem:s11], [sflag:$0x5] =	stream.indirect_vreg.gather [hbm4b:s2+s3], $0x80, v4, vm0, $0xb8;
	[tilespmem:$0x18100] =	vst v63  }
0x81: {  	v3 =	vperm.xlane v3, v2  }
0x82: {  	[tilespmem:s21], [sflag:$0x5] =	stream.indirect_vreg.gather [hbm4b:s5+s3], $0x80, v4, vm0, $0xb8;
	[tilespmem:$0x18100] =	vst v63  }
0x83: {  	s9 =	simm.s32 $0x11100;
	v3 =	vadd.s32 v1, v3  }
0x84: {  	[tilespmem:s9], [sflag:$0x5] =	stream.indirect_vreg.gather [hbm4b:s6+s3], $0x80, v4, vm0, $0xb8;
	[tilespmem:$0x18100] =	vst v63  }
0x85: {  	_ = 	snop  }
0x86: {  	[tilespmem:s13], [sflag:$0x5] =	stream.indirect_vreg.gather [hbm4b:s7+s3], $0x80, v4, vm0, $0xb8;
	[tilespmem:$0x18100] =	vst v63  }
0x87: {  	_ = 	snop  }
0x88: {  	[tilespmem:s14], [sflag:$0x5] =	stream.indirect_vreg.gather [hbm4b:s2+s3], $0x80, v3, vm0, $0xb8;
	[tilespmem:$0x18100] =	vst v63  }
0x89: {  	_ = 	snop  }
0x8a: {  	[tilespmem:s15], [sflag:$0x5] =	stream.indirect_vreg.gather [hbm4b:s5+s3], $0x80, v3, vm0, $0xb8;
	[tilespmem:$0x18100] =	vst v63  }
0x8b: {  	_ = 	snop  }
0x8c: {  	[tilespmem:s16], [sflag:$0x5] =	stream.indirect_vreg.gather [hbm4b:s6+s3], $0x80, v3, vm0, $0xb8;
	[tilespmem:$0x18100] =	vst v63  }
0x8d: {  	_ = 	snop  }
0x8e: {  	[tilespmem:s17], [sflag:$0x5] =	stream.indirect_vreg.gather [hbm4b:s7+s3], $0x80, v3, vm0, $0xb8;
	[tilespmem:$0x18100] =	vst v63  }
0x8f: {  	_ =	swait.ge [sflag:s20], $0x4000  }
0x90: {  	[sflag:s20] =	ssyncset.done $0x0  }
0x91: {  	s0 =	rddreg [dreg:$0x5];
	[sflag:s20] =	ssyncadd.s32 $0xFFFFC000  }
0x92: {  	[hbm4b:s0+s3] =	stream.linear.scatter [tilespmem:s18], [sflag:$0x7], $0x4000, $0x38;
	[tilespmem:$0x18100] =	vst v63  }
0x93: {  	v3 =	vld [tilespmem:$0x50];
	_ =	sdelay $0x4  }
0x94: {  	v53 =	vshll.u32 v3, $0x3  }
0x95: {  	v3 =	vand.u32 $0x7, v3;
	v4 =	vand.u32 $0xFFFFFFC0, v53  }
0x96: {  	v3 =	vor.u32 v3, v4  }
0x97: {  	v4 =	vperm.xlane v3, v0;
	_ =	sdelay $0x1  }
0x98: {  	v4 =	vadd.s32 v1, v4;
	_ =	sdelay $0x4  }
0x99: {  	[tilespmem:s19], [sflag:$0x6] =	stream.indirect_vreg.gather [hbm4b:s2+s3], $0x80, v4, vm0, $0xb8;
	[tilespmem:$0x18100] =	vst v63  }
0x9a: {  	s12 =	simm.s32 $0x14900;
	v3 =	vperm.xlane v3, v2  }
0x9b: {  	[tilespmem:s12], [sflag:$0x6] =	stream.indirect_vreg.gather [hbm4b:s5+s3], $0x80, v4, vm0, $0xb8;
	[tilespmem:$0x18100] =	vst v63  }
0x9c: {  	v3 =	vadd.s32 v1, v3;
	s12 =	simm.s32 $0x15100  }
0x9d: {  	[tilespmem:s12], [sflag:$0x6] =	stream.indirect_vreg.gather [hbm4b:s6+s3], $0x80, v4, vm0, $0xb8;
	[tilespmem:$0x18100] =	vst v63  }
0x9e: {  	s12 =	simm.s32 $0x15900  }
0x9f: {  	[tilespmem:s12], [sflag:$0x6] =	stream.indirect_vreg.gather [hbm4b:s7+s3], $0x80, v4, vm0, $0xb8;
	[tilespmem:$0x18100] =	vst v63  }
0xa0: {  	s12 =	simm.s32 $0x16100  }
0xa1: {  	[tilespmem:s12], [sflag:$0x6] =	stream.indirect_vreg.gather [hbm4b:s2+s3], $0x80, v3, vm0, $0xb8;
	[tilespmem:$0x18100] =	vst v63  }
0xa2: {  	s12 =	simm.s32 $0x16900  }
0xa3: {  	[tilespmem:s12], [sflag:$0x6] =	stream.indirect_vreg.gather [hbm4b:s5+s3], $0x80, v3, vm0, $0xb8;
	[tilespmem:$0x18100] =	vst v63  }
0xa4: {  	s12 =	simm.s32 $0x17100  }
0xa5: {  	[tilespmem:s12], [sflag:$0x6] =	stream.indirect_vreg.gather [hbm4b:s6+s3], $0x80, v3, vm0, $0xb8;
	[tilespmem:$0x18100] =	vst v63  }
0xa6: {  	s12 =	simm.s32 $0x17900  }
0xa7: {  	[tilespmem:s12], [sflag:$0x6] =	stream.indirect_vreg.gather [hbm4b:s7+s3], $0x80, v3, vm0, $0xb8;
	[tilespmem:$0x18100] =	vst v63  }
0xa8: {  	_ =	swait.ge [sflag:s22], $0x4000  }
0xa9: {  	[sflag:s22] =	ssyncset.done $0x0  }
0xaa: {  	s0 =	rddreg [dreg:$0x6];
	[sflag:s22] =	ssyncadd.s32 $0xFFFFC000  }
0xab: {  	[hbm4b:s0+s3] =	stream.linear.scatter [tilespmem:s26], [sflag:$0x8], $0x4000, $0x38;
	[tilespmem:$0x18100] =	vst v63  }
0xac: {  	_ =	swait.ge [sflag:s23], $0x4000  }
0xad: {  	[sflag:s23] =	ssyncset.done $0x0  }
0xae: {  	[sflag:s23] =	ssyncadd.s32 $0xFFFFC000  }
0xaf: {  	v3 =	vld [tilespmem:$0x60];
	_ =	sdelay $0x4  }
0xb0: {  	v54 =	vshll.u32 v3, $0x3  }
0xb1: {  	v3 =	vand.u32 $0x7, v3;
	v4 =	vand.u32 $0xFFFFFFC0, v54  }
0xb2: {  	v3 =	vor.u32 v3, v4  }
0xb3: {  	v4 =	vperm.xlane v3, v0;
	_ =	sdelay $0x1  }
0xb4: {  	v4 =	vadd.s32 v1, v4;
	_ =	sdelay $0x4  }
0xb5: {  	[tilespmem:s18], [sflag:$0x1] =	stream.indirect_vreg.gather [hbm4b:s2+s3], $0x80, v4, vm0, $0xb8;
	[tilespmem:$0x18100] =	vst v63  }
0xb6: {  	s1 =	simm.s32 $0x900;
	v3 =	vperm.xlane v3, v2  }
0xb7: {  	[tilespmem:s1], [sflag:$0x1] =	stream.indirect_vreg.gather [hbm4b:s5+s3], $0x80, v4, vm0, $0xb8;
	[tilespmem:$0x18100] =	vst v63  }
0xb8: {  	v3 =	vadd.s32 v1, v3;
	s1 =	simm.s32 $0x1100  }
0xb9: {  	[tilespmem:s1], [sflag:$0x1] =	stream.indirect_vreg.gather [hbm4b:s6+s3], $0x80, v4, vm0, $0xb8;
	[tilespmem:$0x18100] =	vst v63  }
0xba: {  	s12 =	simm.s32 $0x1900  }
0xbb: {  	[tilespmem:s12], [sflag:$0x1] =	stream.indirect_vreg.gather [hbm4b:s7+s3], $0x80, v4, vm0, $0xb8;
	[tilespmem:$0x18100] =	vst v63  }
0xbc: {  	s1 =	simm.s32 $0x2100  }
0xbd: {  	[tilespmem:s1], [sflag:$0x1] =	stream.indirect_vreg.gather [hbm4b:s2+s3], $0x80, v3, vm0, $0xb8;
	[tilespmem:$0x18100] =	vst v63  }
0xbe: {  	s12 =	simm.s32 $0x2900  }
0xbf: {  	[tilespmem:s12], [sflag:$0x1] =	stream.indirect_vreg.gather [hbm4b:s5+s3], $0x80, v3, vm0, $0xb8;
	[tilespmem:$0x18100] =	vst v63  }
0xc0: {  	s1 =	simm.s32 $0x3100  }
0xc1: {  	[tilespmem:s1], [sflag:$0x1] =	stream.indirect_vreg.gather [hbm4b:s6+s3], $0x80, v3, vm0, $0xb8;
	[tilespmem:$0x18100] =	vst v63  }
0xc2: {  	s4 =	simm.s32 $0x3900  }
0xc3: {  	[tilespmem:s4], [sflag:$0x1] =	stream.indirect_vreg.gather [hbm4b:s7+s3], $0x80, v3, vm0, $0xb8;
	[tilespmem:$0x18100] =	vst v63  }
0xc4: {  	_ =	swait.ge [sflag:s24], $0x4000  }
0xc5: {  	[sflag:s24] =	ssyncset.done $0x0  }
0xc6: {  	s4 =	rddreg [dreg:$0x7];
	[sflag:s24] =	ssyncadd.s32 $0xFFFFC000  }
0xc7: {  	[hbm4b:s4+s3] =	stream.linear.scatter [tilespmem:s30], [sflag:$0x9], $0x4000, $0x38;
	[tilespmem:$0x18100] =	vst v63  }
0xc8: {  	_ =	swait.ge [sflag:s25], $0x4000  }
0xc9: {  	[sflag:s25] =	ssyncset.done $0x0  }
0xca: {  	[sflag:s25] =	ssyncadd.s32 $0xFFFFC000  }
0xcb: {  	v3 =	vld [tilespmem:$0x70];
	_ =	sdelay $0x4  }
0xcc: {  	v55 =	vshll.u32 v3, $0x3  }
0xcd: {  	v3 =	vand.u32 $0x7, v3;
	v4 =	vand.u32 $0xFFFFFFC0, v55  }
0xce: {  	v3 =	vor.u32 v3, v4  }
0xcf: {  	v4 =	vperm.xlane v3, v0;
	_ =	sdelay $0x1  }
0xd0: {  	v4 =	vadd.s32 v1, v4;
	_ =	sdelay $0x4  }
0xd1: {  	[tilespmem:s26], [sflag:$0x2] =	stream.indirect_vreg.gather [hbm4b:s2+s3], $0x80, v4, vm0, $0xb8;
	[tilespmem:$0x18100] =	vst v63  }
0xd2: {  	s12 =	simm.s32 $0x4900;
	v3 =	vperm.xlane v3, v2  }
0xd3: {  	[tilespmem:s12], [sflag:$0x2] =	stream.indirect_vreg.gather [hbm4b:s5+s3], $0x80, v4, vm0, $0xb8;
	[tilespmem:$0x18100] =	vst v63  }
0xd4: {  	s1 =	simm.s32 $0x5100;
	v3 =	vadd.s32 v1, v3  }
0xd5: {  	[tilespmem:s1], [sflag:$0x2] =	stream.indirect_vreg.gather [hbm4b:s6+s3], $0x80, v4, vm0, $0xb8;
	[tilespmem:$0x18100] =	vst v63  }
0xd6: {  	s4 =	simm.s32 $0x5900  }
0xd7: {  	[tilespmem:s4], [sflag:$0x2] =	stream.indirect_vreg.gather [hbm4b:s7+s3], $0x80, v4, vm0, $0xb8;
	[tilespmem:$0x18100] =	vst v63  }
0xd8: {  	s12 =	simm.s32 $0x6100  }
0xd9: {  	[tilespmem:s12], [sflag:$0x2] =	stream.indirect_vreg.gather [hbm4b:s2+s3], $0x80, v3, vm0, $0xb8;
	[tilespmem:$0x18100] =	vst v63  }
0xda: {  	s1 =	simm.s32 $0x6900  }
0xdb: {  	[tilespmem:s1], [sflag:$0x2] =	stream.indirect_vreg.gather [hbm4b:s5+s3], $0x80, v3, vm0, $0xb8;
	[tilespmem:$0x18100] =	vst v63  }
0xdc: {  	s4 =	simm.s32 $0x7100  }
0xdd: {  	[tilespmem:s4], [sflag:$0x2] =	stream.indirect_vreg.gather [hbm4b:s6+s3], $0x80, v3, vm0, $0xb8;
	[tilespmem:$0x18100] =	vst v63  }
0xde: {  	s12 =	simm.s32 $0x7900  }
0xdf: {  	[tilespmem:s12], [sflag:$0x2] =	stream.indirect_vreg.gather [hbm4b:s7+s3], $0x80, v3, vm0, $0xb8;
	[tilespmem:$0x18100] =	vst v63  }
0xe0: {  	_ =	swait.ge [sflag:s28], $0x4000  }
0xe1: {  	[sflag:s28] =	ssyncset.done $0x0  }
0xe2: {  	s0 =	rddreg [dreg:$0x8];
	[sflag:s28] =	ssyncadd.s32 $0xFFFFC000  }
0xe3: {  	[hbm4b:s0+s3] =	stream.linear.scatter [tilespmem:s10], [sflag:$0xA], $0x4000, $0x38;
	[tilespmem:$0x18100] =	vst v63  }
0xe4: {  	_ =	swait.ge [sflag:s29], $0x4000  }
0xe5: {  	[sflag:s29] =	ssyncset.done $0x0  }
0xe6: {  	[sflag:s29] =	ssyncadd.s32 $0xFFFFC000  }
0xe7: {  	v3 =	vld [tilespmem:$0x80];
	_ =	sdelay $0x4  }
0xe8: {  	v56 =	vshll.u32 v3, $0x3  }
0xe9: {  	v3 =	vand.u32 $0x7, v3;
	v4 =	vand.u32 $0xFFFFFFC0, v56  }
0xea: {  	v3 =	vor.u32 v3, v4  }
0xeb: {  	v4 =	vperm.xlane v3, v0;
	_ =	sdelay $0x1  }
0xec: {  	v4 =	vadd.s32 v1, v4;
	_ =	sdelay $0x4  }
0xed: {  	[tilespmem:s30], [sflag:$0x3] =	stream.indirect_vreg.gather [hbm4b:s2+s3], $0x80, v4, vm0, $0xb8;
	[tilespmem:$0x18100] =	vst v63  }
0xee: {  	s1 =	simm.s32 $0x8900;
	v3 =	vperm.xlane v3, v2  }
0xef: {  	[tilespmem:s1], [sflag:$0x3] =	stream.indirect_vreg.gather [hbm4b:s5+s3], $0x80, v4, vm0, $0xb8;
	[tilespmem:$0x18100] =	vst v63  }
0xf0: {  	s4 =	simm.s32 $0x9100;
	v3 =	vadd.s32 v1, v3  }
0xf1: {  	[tilespmem:s4], [sflag:$0x3] =	stream.indirect_vreg.gather [hbm4b:s6+s3], $0x80, v4, vm0, $0xb8;
	[tilespmem:$0x18100] =	vst v63  }
0xf2: {  	s12 =	simm.s32 $0x9900  }
0xf3: {  	[tilespmem:s12], [sflag:$0x3] =	stream.indirect_vreg.gather [hbm4b:s7+s3], $0x80, v4, vm0, $0xb8;
	[tilespmem:$0x18100] =	vst v63  }
0xf4: {  	s1 =	simm.s32 $0xA100  }
0xf5: {  	[tilespmem:s1], [sflag:$0x3] =	stream.indirect_vreg.gather [hbm4b:s2+s3], $0x80, v3, vm0, $0xb8;
	[tilespmem:$0x18100] =	vst v63  }
0xf6: {  	s4 =	simm.s32 $0xA900  }
0xf7: {  	[tilespmem:s4], [sflag:$0x3] =	stream.indirect_vreg.gather [hbm4b:s5+s3], $0x80, v3, vm0, $0xb8;
	[tilespmem:$0x18100] =	vst v63  }
0xf8: {  	s12 =	simm.s32 $0xB100  }
0xf9: {  	[tilespmem:s12], [sflag:$0x3] =	stream.indirect_vreg.gather [hbm4b:s6+s3], $0x80, v3, vm0, $0xb8;
	[tilespmem:$0x18100] =	vst v63  }
0xfa: {  	s0 =	simm.s32 $0x5;
	s1 =	simm.s32 $0xB900  }
0xfb: {  	[tilespmem:s1], [sflag:$0x3] =	stream.indirect_vreg.gather [hbm4b:s7+s3], $0x80, v3, vm0, $0xb8;
	[tilespmem:$0x18100] =	vst v63  }
0xfc: {  	_ =	swait.ge [sflag:s0], $0x4000  }
0xfd: {  	[sflag:s0] =	ssyncset.done $0x0  }
0xfe: {  	s4 =	rddreg [dreg:$0x9];
	[sflag:s0] =	ssyncadd.s32 $0xFFFFC000  }
0xff: {  	[hbm4b:s4+s3] =	stream.linear.scatter [tilespmem:s11], [sflag:$0xB], $0x4000, $0x38;
	[tilespmem:$0x18100] =	vst v63  }
0x100: {  	_ =	swait.ge [sflag:s31], $0x4000  }
0x101: {  	[sflag:s31] =	ssyncset.done $0x0  }
0x102: {  	[sflag:s31] =	ssyncadd.s32 $0xFFFFC000  }
0x103: {  	v3 =	vld [tilespmem:$0x90];
	_ =	sdelay $0x4  }
0x104: {  	v57 =	vshll.u32 v3, $0x3  }
0x105: {  	v3 =	vand.u32 $0x7, v3;
	v4 =	vand.u32 $0xFFFFFFC0, v57  }
0x106: {  	v3 =	vor.u32 v3, v4  }
0x107: {  	v4 =	vperm.xlane v3, v0;
	_ =	sdelay $0x1  }
0x108: {  	v4 =	vadd.s32 v1, v4;
	_ =	sdelay $0x4  }
0x109: {  	[tilespmem:s10], [sflag:$0x4] =	stream.indirect_vreg.gather [hbm4b:s2+s3], $0x80, v4, vm0, $0xb8;
	[tilespmem:$0x18100] =	vst v63  }
0x10a: {  	s12 =	simm.s32 $0xC900;
	v3 =	vperm.xlane v3, v2  }
0x10b: {  	[tilespmem:s12], [sflag:$0x4] =	stream.indirect_vreg.gather [hbm4b:s5+s3], $0x80, v4, vm0, $0xb8;
	[tilespmem:$0x18100] =	vst v63  }
0x10c: {  	s4 =	simm.s32 $0xD100;
	v3 =	vadd.s32 v1, v3  }
0x10d: {  	[tilespmem:s4], [sflag:$0x4] =	stream.indirect_vreg.gather [hbm4b:s6+s3], $0x80, v4, vm0, $0xb8;
	[tilespmem:$0x18100] =	vst v63  }
0x10e: {  	s12 =	simm.s32 $0xD900  }
0x10f: {  	[tilespmem:s12], [sflag:$0x4] =	stream.indirect_vreg.gather [hbm4b:s7+s3], $0x80, v4, vm0, $0xb8;
	[tilespmem:$0x18100] =	vst v63  }
0x110: {  	s4 =	simm.s32 $0xE100  }
0x111: {  	[tilespmem:s4], [sflag:$0x4] =	stream.indirect_vreg.gather [hbm4b:s2+s3], $0x80, v3, vm0, $0xb8;
	[tilespmem:$0x18100] =	vst v63  }
0x112: {  	s12 =	simm.s32 $0xE900  }
0x113: {  	[tilespmem:s12], [sflag:$0x4] =	stream.indirect_vreg.gather [hbm4b:s5+s3], $0x80, v3, vm0, $0xb8;
	[tilespmem:$0x18100] =	vst v63  }
0x114: {  	s4 =	simm.s32 $0xF100  }
0x115: {  	[tilespmem:s4], [sflag:$0x4] =	stream.indirect_vreg.gather [hbm4b:s6+s3], $0x80, v3, vm0, $0xb8;
	[tilespmem:$0x18100] =	vst v63  }
0x116: {  	s1 =	simm.s32 $0x6;
	s12 =	simm.s32 $0xF900  }
0x117: {  	[tilespmem:s12], [sflag:$0x4] =	stream.indirect_vreg.gather [hbm4b:s7+s3], $0x80, v3, vm0, $0xb8;
	[tilespmem:$0x18100] =	vst v63  }
0x118: {  	_ =	swait.ge [sflag:s1], $0x4000  }
0x119: {  	[sflag:s1] =	ssyncset.done $0x0  }
0x11a: {  	s4 =	rddreg [dreg:$0xa];
	[sflag:s1] =	ssyncadd.s32 $0xFFFFC000  }
0x11b: {  	[hbm4b:s4+s3] =	stream.linear.scatter [tilespmem:s19], [sflag:$0xC], $0x4000, $0x38;
	[tilespmem:$0x18100] =	vst v63  }
0x11c: {  	s4 =	simm.s32 $0xB  }
0x11d: {  	_ =	swait.ge [sflag:s4], $0x4000  }
0x11e: {  	[sflag:s4] =	ssyncset.done $0x0  }
0x11f: {  	[sflag:s4] =	ssyncadd.s32 $0xFFFFC000  }
0x120: {  	v3 =	vld [tilespmem:$0xA0];
	_ =	sdelay $0x4  }
0x121: {  	v58 =	vshll.u32 v3, $0x3  }
0x122: {  	v3 =	vand.u32 $0x7, v3;
	v4 =	vand.u32 $0xFFFFFFC0, v58  }
0x123: {  	v3 =	vor.u32 v3, v4  }
0x124: {  	v4 =	vperm.xlane v3, v0;
	_ =	sdelay $0x1  }
0x125: {  	v4 =	vadd.s32 v1, v4;
	_ =	sdelay $0x4  }
0x126: {  	[tilespmem:s11], [sflag:$0x5] =	stream.indirect_vreg.gather [hbm4b:s2+s3], $0x80, v4, vm0, $0xb8;
	[tilespmem:$0x18100] =	vst v63  }
0x127: {  	v3 =	vperm.xlane v3, v2  }
0x128: {  	[tilespmem:s21], [sflag:$0x5] =	stream.indirect_vreg.gather [hbm4b:s5+s3], $0x80, v4, vm0, $0xb8;
	[tilespmem:$0x18100] =	vst v63  }
0x129: {  	v3 =	vadd.s32 v1, v3  }
0x12a: {  	[tilespmem:s9], [sflag:$0x5] =	stream.indirect_vreg.gather [hbm4b:s6+s3], $0x80, v4, vm0, $0xb8;
	[tilespmem:$0x18100] =	vst v63  }
0x12b: {  	_ = 	snop  }
0x12c: {  	[tilespmem:s13], [sflag:$0x5] =	stream.indirect_vreg.gather [hbm4b:s7+s3], $0x80, v4, vm0, $0xb8;
	[tilespmem:$0x18100] =	vst v63  }
0x12d: {  	_ = 	snop  }
0x12e: {  	[tilespmem:s14], [sflag:$0x5] =	stream.indirect_vreg.gather [hbm4b:s2+s3], $0x80, v3, vm0, $0xb8;
	[tilespmem:$0x18100] =	vst v63  }
0x12f: {  	_ = 	snop  }
0x130: {  	[tilespmem:s15], [sflag:$0x5] =	stream.indirect_vreg.gather [hbm4b:s5+s3], $0x80, v3, vm0, $0xb8;
	[tilespmem:$0x18100] =	vst v63  }
0x131: {  	_ = 	snop  }
0x132: {  	[tilespmem:s16], [sflag:$0x5] =	stream.indirect_vreg.gather [hbm4b:s6+s3], $0x80, v3, vm0, $0xb8;
	[tilespmem:$0x18100] =	vst v63  }
0x133: {  	_ = 	snop  }
0x134: {  	[tilespmem:s17], [sflag:$0x5] =	stream.indirect_vreg.gather [hbm4b:s7+s3], $0x80, v3, vm0, $0xb8;
	[tilespmem:$0x18100] =	vst v63  }
0x135: {  	_ =	swait.ge [sflag:s20], $0x4000  }
0x136: {  	[sflag:s20] =	ssyncset.done $0x0  }
0x137: {  	s9 =	rddreg [dreg:$0xb];
	[sflag:s20] =	ssyncadd.s32 $0xFFFFC000  }
0x138: {  	[hbm4b:s9+s3] =	stream.linear.scatter [tilespmem:s18], [sflag:$0x7], $0x4000, $0x38;
	[tilespmem:$0x18100] =	vst v63  }
0x139: {  	s9 =	simm.s32 $0xC  }
0x13a: {  	_ =	swait.ge [sflag:s9], $0x4000  }
0x13b: {  	[sflag:s9] =	ssyncset.done $0x0  }
0x13c: {  	[sflag:s9] =	ssyncadd.s32 $0xFFFFC000  }
0x13d: {  	v3 =	vld [tilespmem:$0xB0];
	_ =	sdelay $0x4  }
0x13e: {  	v59 =	vshll.u32 v3, $0x3  }
0x13f: {  	v3 =	vand.u32 $0x7, v3;
	v4 =	vand.u32 $0xFFFFFFC0, v59  }
0x140: {  	v3 =	vor.u32 v3, v4  }
0x141: {  	v4 =	vperm.xlane v3, v0;
	_ =	sdelay $0x1  }
0x142: {  	v4 =	vadd.s32 v1, v4;
	_ =	sdelay $0x4  }
0x143: {  	[tilespmem:s19], [sflag:$0x6] =	stream.indirect_vreg.gather [hbm4b:s2+s3], $0x80, v4, vm0, $0xb8;
	[tilespmem:$0x18100] =	vst v63  }
0x144: {  	s12 =	simm.s32 $0x14900;
	v3 =	vperm.xlane v3, v2  }
0x145: {  	[tilespmem:s12], [sflag:$0x6] =	stream.indirect_vreg.gather [hbm4b:s5+s3], $0x80, v4, vm0, $0xb8;
	[tilespmem:$0x18100] =	vst v63  }
0x146: {  	v3 =	vadd.s32 v1, v3;
	s12 =	simm.s32 $0x15100  }
0x147: {  	[tilespmem:s12], [sflag:$0x6] =	stream.indirect_vreg.gather [hbm4b:s6+s3], $0x80, v4, vm0, $0xb8;
	[tilespmem:$0x18100] =	vst v63  }
0x148: {  	s12 =	simm.s32 $0x15900  }
0x149: {  	[tilespmem:s12], [sflag:$0x6] =	stream.indirect_vreg.gather [hbm4b:s7+s3], $0x80, v4, vm0, $0xb8;
	[tilespmem:$0x18100] =	vst v63  }
0x14a: {  	s12 =	simm.s32 $0x16100  }
0x14b: {  	[tilespmem:s12], [sflag:$0x6] =	stream.indirect_vreg.gather [hbm4b:s2+s3], $0x80, v3, vm0, $0xb8;
	[tilespmem:$0x18100] =	vst v63  }
0x14c: {  	s12 =	simm.s32 $0x16900  }
0x14d: {  	[tilespmem:s12], [sflag:$0x6] =	stream.indirect_vreg.gather [hbm4b:s5+s3], $0x80, v3, vm0, $0xb8;
	[tilespmem:$0x18100] =	vst v63  }
0x14e: {  	s12 =	simm.s32 $0x17100  }
0x14f: {  	[tilespmem:s12], [sflag:$0x6] =	stream.indirect_vreg.gather [hbm4b:s6+s3], $0x80, v3, vm0, $0xb8;
	[tilespmem:$0x18100] =	vst v63  }
0x150: {  	s12 =	simm.s32 $0x17900  }
0x151: {  	[tilespmem:s12], [sflag:$0x6] =	stream.indirect_vreg.gather [hbm4b:s7+s3], $0x80, v3, vm0, $0xb8;
	[tilespmem:$0x18100] =	vst v63  }
0x152: {  	_ =	swait.ge [sflag:s22], $0x4000  }
0x153: {  	[sflag:s22] =	ssyncset.done $0x0  }
0x154: {  	s12 =	rddreg [dreg:$0xc];
	[sflag:s22] =	ssyncadd.s32 $0xFFFFC000  }
0x155: {  	[hbm4b:s12+s3] =	stream.linear.scatter [tilespmem:s26], [sflag:$0x8], $0x4000, $0x38;
	[tilespmem:$0x18100] =	vst v63  }
0x156: {  	_ =	swait.ge [sflag:s23], $0x4000  }
0x157: {  	[sflag:s23] =	ssyncset.done $0x0  }
0x158: {  	[sflag:s23] =	ssyncadd.s32 $0xFFFFC000  }
0x159: {  	v3 =	vld [tilespmem:$0xC0];
	_ =	sdelay $0x4  }
0x15a: {  	v60 =	vshll.u32 v3, $0x3  }
0x15b: {  	v3 =	vand.u32 $0x7, v3;
	v4 =	vand.u32 $0xFFFFFFC0, v60  }
0x15c: {  	v3 =	vor.u32 v3, v4  }
0x15d: {  	v4 =	vperm.xlane v3, v0;
	_ =	sdelay $0x1  }
0x15e: {  	v4 =	vadd.s32 v1, v4;
	_ =	sdelay $0x4  }
0x15f: {  	[tilespmem:s18], [sflag:$0x1] =	stream.indirect_vreg.gather [hbm4b:s2+s3], $0x80, v4, vm0, $0xb8;
	[tilespmem:$0x18100] =	vst v63  }
0x160: {  	s12 =	simm.s32 $0x900;
	v3 =	vperm.xlane v3, v2  }
0x161: {  	[tilespmem:s12], [sflag:$0x1] =	stream.indirect_vreg.gather [hbm4b:s5+s3], $0x80, v4, vm0, $0xb8;
	[tilespmem:$0x18100] =	vst v63  }
0x162: {  	v3 =	vadd.s32 v1, v3;
	s12 =	simm.s32 $0x1100  }
0x163: {  	[tilespmem:s12], [sflag:$0x1] =	stream.indirect_vreg.gather [hbm4b:s6+s3], $0x80, v4, vm0, $0xb8;
	[tilespmem:$0x18100] =	vst v63  }
0x164: {  	s12 =	simm.s32 $0x1900  }
0x165: {  	[tilespmem:s12], [sflag:$0x1] =	stream.indirect_vreg.gather [hbm4b:s7+s3], $0x80, v4, vm0, $0xb8;
	[tilespmem:$0x18100] =	vst v63  }
0x166: {  	s12 =	simm.s32 $0x2100  }
0x167: {  	[tilespmem:s12], [sflag:$0x1] =	stream.indirect_vreg.gather [hbm4b:s2+s3], $0x80, v3, vm0, $0xb8;
	[tilespmem:$0x18100] =	vst v63  }
0x168: {  	s12 =	simm.s32 $0x2900  }
0x169: {  	[tilespmem:s12], [sflag:$0x1] =	stream.indirect_vreg.gather [hbm4b:s5+s3], $0x80, v3, vm0, $0xb8;
	[tilespmem:$0x18100] =	vst v63  }
0x16a: {  	s12 =	simm.s32 $0x3100  }
0x16b: {  	[tilespmem:s12], [sflag:$0x1] =	stream.indirect_vreg.gather [hbm4b:s6+s3], $0x80, v3, vm0, $0xb8;
	[tilespmem:$0x18100] =	vst v63  }
0x16c: {  	s12 =	simm.s32 $0x3900  }
0x16d: {  	[tilespmem:s12], [sflag:$0x1] =	stream.indirect_vreg.gather [hbm4b:s7+s3], $0x80, v3, vm0, $0xb8;
	[tilespmem:$0x18100] =	vst v63  }
0x16e: {  	_ =	swait.ge [sflag:s24], $0x4000  }
0x16f: {  	[sflag:s24] =	ssyncset.done $0x0  }
0x170: {  	s12 =	rddreg [dreg:$0xd];
	[sflag:s24] =	ssyncadd.s32 $0xFFFFC000  }
0x171: {  	[hbm4b:s12+s3] =	stream.linear.scatter [tilespmem:s30], [sflag:$0x9], $0x4000, $0x38;
	[tilespmem:$0x18100] =	vst v63  }
0x172: {  	_ =	swait.ge [sflag:s25], $0x4000  }
0x173: {  	[sflag:s25] =	ssyncset.done $0x0  }
0x174: {  	[sflag:s25] =	ssyncadd.s32 $0xFFFFC000  }
0x175: {  	v3 =	vld [tilespmem:$0xD0];
	_ =	sdelay $0x4  }
0x176: {  	v61 =	vshll.u32 v3, $0x3  }
0x177: {  	v3 =	vand.u32 $0x7, v3;
	v4 =	vand.u32 $0xFFFFFFC0, v61  }
0x178: {  	v3 =	vor.u32 v3, v4  }
0x179: {  	v4 =	vperm.xlane v3, v0;
	_ =	sdelay $0x1  }
0x17a: {  	v4 =	vadd.s32 v1, v4;
	_ =	sdelay $0x4  }
0x17b: {  	[tilespmem:s26], [sflag:$0x2] =	stream.indirect_vreg.gather [hbm4b:s2+s3], $0x80, v4, vm0, $0xb8;
	[tilespmem:$0x18100] =	vst v63  }
0x17c: {  	s12 =	simm.s32 $0x4900;
	v3 =	vperm.xlane v3, v2  }
0x17d: {  	[tilespmem:s12], [sflag:$0x2] =	stream.indirect_vreg.gather [hbm4b:s5+s3], $0x80, v4, vm0, $0xb8;
	[tilespmem:$0x18100] =	vst v63  }
0x17e: {  	v3 =	vadd.s32 v1, v3;
	s12 =	simm.s32 $0x5100  }
0x17f: {  	[tilespmem:s12], [sflag:$0x2] =	stream.indirect_vreg.gather [hbm4b:s6+s3], $0x80, v4, vm0, $0xb8;
	[tilespmem:$0x18100] =	vst v63  }
0x180: {  	s12 =	simm.s32 $0x5900  }
0x181: {  	[tilespmem:s12], [sflag:$0x2] =	stream.indirect_vreg.gather [hbm4b:s7+s3], $0x80, v4, vm0, $0xb8;
	[tilespmem:$0x18100] =	vst v63  }
0x182: {  	s12 =	simm.s32 $0x6100  }
0x183: {  	[tilespmem:s12], [sflag:$0x2] =	stream.indirect_vreg.gather [hbm4b:s2+s3], $0x80, v3, vm0, $0xb8;
	[tilespmem:$0x18100] =	vst v63  }
0x184: {  	s12 =	simm.s32 $0x6900  }
0x185: {  	[tilespmem:s12], [sflag:$0x2] =	stream.indirect_vreg.gather [hbm4b:s5+s3], $0x80, v3, vm0, $0xb8;
	[tilespmem:$0x18100] =	vst v63  }
0x186: {  	s12 =	simm.s32 $0x7100  }
0x187: {  	[tilespmem:s12], [sflag:$0x2] =	stream.indirect_vreg.gather [hbm4b:s6+s3], $0x80, v3, vm0, $0xb8;
	[tilespmem:$0x18100] =	vst v63  }
0x188: {  	s12 =	simm.s32 $0x7900  }
0x189: {  	[tilespmem:s12], [sflag:$0x2] =	stream.indirect_vreg.gather [hbm4b:s7+s3], $0x80, v3, vm0, $0xb8;
	[tilespmem:$0x18100] =	vst v63  }
0x18a: {  	_ =	swait.ge [sflag:s28], $0x4000  }
0x18b: {  	[sflag:s28] =	ssyncset.done $0x0  }
0x18c: {  	s12 =	rddreg [dreg:$0xe];
	[sflag:s28] =	ssyncadd.s32 $0xFFFFC000  }
0x18d: {  	[hbm4b:s12+s3] =	stream.linear.scatter [tilespmem:s10], [sflag:$0xA], $0x4000, $0x38;
	[tilespmem:$0x18100] =	vst v63  }
0x18e: {  	_ =	swait.ge [sflag:s29], $0x4000  }
0x18f: {  	[sflag:s29] =	ssyncset.done $0x0  }
0x190: {  	[sflag:s29] =	ssyncadd.s32 $0xFFFFC000  }
0x191: {  	v3 =	vld [tilespmem:$0xE0];
	_ =	sdelay $0x4  }
0x192: {  	v62 =	vshll.u32 v3, $0x3  }
0x193: {  	v3 =	vand.u32 $0x7, v3;
	v4 =	vand.u32 $0xFFFFFFC0, v62  }
0x194: {  	v3 =	vor.u32 v3, v4  }
0x195: {  	v4 =	vperm.xlane v3, v0;
	_ =	sdelay $0x1  }
0x196: {  	v4 =	vadd.s32 v1, v4;
	_ =	sdelay $0x4  }
0x197: {  	[tilespmem:s30], [sflag:$0x3] =	stream.indirect_vreg.gather [hbm4b:s2+s3], $0x80, v4, vm0, $0xb8;
	[tilespmem:$0x18100] =	vst v63  }
0x198: {  	s12 =	simm.s32 $0x8900;
	v3 =	vperm.xlane v3, v2  }
0x199: {  	[tilespmem:s12], [sflag:$0x3] =	stream.indirect_vreg.gather [hbm4b:s5+s3], $0x80, v4, vm0, $0xb8;
	[tilespmem:$0x18100] =	vst v63  }
0x19a: {  	v3 =	vadd.s32 v1, v3;
	s12 =	simm.s32 $0x9100  }
0x19b: {  	[tilespmem:s12], [sflag:$0x3] =	stream.indirect_vreg.gather [hbm4b:s6+s3], $0x80, v4, vm0, $0xb8;
	[tilespmem:$0x18100] =	vst v63  }
0x19c: {  	s12 =	simm.s32 $0x9900  }
0x19d: {  	[tilespmem:s12], [sflag:$0x3] =	stream.indirect_vreg.gather [hbm4b:s7+s3], $0x80, v4, vm0, $0xb8;
	[tilespmem:$0x18100] =	vst v63  }
0x19e: {  	s12 =	simm.s32 $0xA100  }
0x19f: {  	[tilespmem:s12], [sflag:$0x3] =	stream.indirect_vreg.gather [hbm4b:s2+s3], $0x80, v3, vm0, $0xb8;
	[tilespmem:$0x18100] =	vst v63  }
0x1a0: {  	s12 =	simm.s32 $0xA900  }
0x1a1: {  	[tilespmem:s12], [sflag:$0x3] =	stream.indirect_vreg.gather [hbm4b:s5+s3], $0x80, v3, vm0, $0xb8;
	[tilespmem:$0x18100] =	vst v63  }
0x1a2: {  	s12 =	simm.s32 $0xB100  }
0x1a3: {  	[tilespmem:s12], [sflag:$0x3] =	stream.indirect_vreg.gather [hbm4b:s6+s3], $0x80, v3, vm0, $0xb8;
	[tilespmem:$0x18100] =	vst v63  }
0x1a4: {  	s12 =	simm.s32 $0xB900  }
0x1a5: {  	[tilespmem:s12], [sflag:$0x3] =	stream.indirect_vreg.gather [hbm4b:s7+s3], $0x80, v3, vm0, $0xb8;
	[tilespmem:$0x18100] =	vst v63  }
0x1a6: {  	_ =	swait.ge [sflag:s0], $0x4000  }
0x1a7: {  	[sflag:s0] =	ssyncset.done $0x0  }
0x1a8: {  	s12 =	rddreg [dreg:$0xf];
	[sflag:s0] =	ssyncadd.s32 $0xFFFFC000  }
0x1a9: {  	[hbm4b:s12+s3] =	stream.linear.scatter [tilespmem:s11], [sflag:$0xB], $0x4000, $0x38;
	[tilespmem:$0x18100] =	vst v63  }
0x1aa: {  	_ =	swait.ge [sflag:s31], $0x4000  }
0x1ab: {  	[sflag:s31] =	ssyncset.done $0x0  }
0x1ac: {  	[sflag:s31] =	ssyncadd.s32 $0xFFFFC000  }
0x1ad: {  	v3 =	vld [tilespmem:$0xF0];
	_ =	sdelay $0x4  }
0x1ae: {  	v63 =	vshll.u32 v3, $0x3  }
0x1af: {  	v3 =	vand.u32 $0x7, v3;
	v4 =	vand.u32 $0xFFFFFFC0, v63  }
0x1b0: {  	v3 =	vor.u32 v3, v4  }
0x1b1: {  	v4 =	vperm.xlane v3, v0;
	_ =	sdelay $0x1  }
0x1b2: {  	v4 =	vadd.s32 v1, v4;
	_ =	sdelay $0x4  }
0x1b3: {  	[tilespmem:s10], [sflag:$0x4] =	stream.indirect_vreg.gather [hbm4b:s2+s3], $0x80, v4, vm0, $0xb8;
	[tilespmem:$0x18100] =	vst v63  }
0x1b4: {  	s12 =	simm.s32 $0xC900;
	v3 =	vperm.xlane v3, v2  }
0x1b5: {  	[tilespmem:s12], [sflag:$0x4] =	stream.indirect_vreg.gather [hbm4b:s5+s3], $0x80, v4, vm0, $0xb8;
	[tilespmem:$0x18100] =	vst v63  }
0x1b6: {  	v3 =	vadd.s32 v1, v3;
	s12 =	simm.s32 $0xD100  }
0x1b7: {  	[tilespmem:s12], [sflag:$0x4] =	stream.indirect_vreg.gather [hbm4b:s6+s3], $0x80, v4, vm0, $0xb8;
	[tilespmem:$0x18100] =	vst v63  }
0x1b8: {  	s12 =	simm.s32 $0xD900  }
0x1b9: {  	[tilespmem:s12], [sflag:$0x4] =	stream.indirect_vreg.gather [hbm4b:s7+s3], $0x80, v4, vm0, $0xb8;
	[tilespmem:$0x18100] =	vst v63  }
0x1ba: {  	s12 =	simm.s32 $0xE100  }
0x1bb: {  	[tilespmem:s12], [sflag:$0x4] =	stream.indirect_vreg.gather [hbm4b:s2+s3], $0x80, v3, vm0, $0xb8;
	[tilespmem:$0x18100] =	vst v63  }
0x1bc: {  	s12 =	simm.s32 $0xE900  }
0x1bd: {  	[tilespmem:s12], [sflag:$0x4] =	stream.indirect_vreg.gather [hbm4b:s5+s3], $0x80, v3, vm0, $0xb8;
	[tilespmem:$0x18100] =	vst v63  }
0x1be: {  	s12 =	simm.s32 $0xF100  }
0x1bf: {  	[tilespmem:s12], [sflag:$0x4] =	stream.indirect_vreg.gather [hbm4b:s6+s3], $0x80, v3, vm0, $0xb8;
	[tilespmem:$0x18100] =	vst v63  }
0x1c0: {  	s12 =	simm.s32 $0xF900  }
0x1c1: {  	[tilespmem:s12], [sflag:$0x4] =	stream.indirect_vreg.gather [hbm4b:s7+s3], $0x80, v3, vm0, $0xb8;
	[tilespmem:$0x18100] =	vst v63  }
0x1c2: {  	_ =	swait.ge [sflag:s1], $0x4000  }
0x1c3: {  	[sflag:s1] =	ssyncset.done $0x0  }
0x1c4: {  	s0 =	rddreg [dreg:$0x10];
	[sflag:s1] =	ssyncadd.s32 $0xFFFFC000  }
0x1c5: {  	[hbm4b:s0+s3] =	stream.linear.scatter [tilespmem:s19], [sflag:$0xC], $0x4000, $0x38;
	[tilespmem:$0x18100] =	vst v63  }
0x1c6: {  	_ =	swait.ge [sflag:s20], $0x4000  }
0x1c7: {  	[sflag:s20] =	ssyncset.done $0x0  }
0x1c8: {  	s0 =	rddreg [dreg:$0x11];
	[sflag:s20] =	ssyncadd.s32 $0xFFFFC000  }
0x1c9: {  	[hbm4b:s0+s3] =	stream.linear.scatter [tilespmem:s18], [sflag:$0x7], $0x4000, $0x38;
	[tilespmem:$0x18100] =	vst v63  }
0x1ca: {  	_ =	swait.ge [sflag:s22], $0x4000  }
0x1cb: {  	[sflag:s22] =	ssyncset.done $0x0  }
0x1cc: {  	s1 =	rddreg [dreg:$0x12];
	[sflag:s22] =	ssyncadd.s32 $0xFFFFC000  }
0x1cd: {  	[hbm4b:s1+s3] =	stream.linear.scatter [tilespmem:s26], [sflag:$0x8], $0x4000, $0x38;
	[tilespmem:$0x18100] =	vst v63  }
0x1ce: {  	_ =	swait.ge [sflag:s24], $0x4000  }
0x1cf: {  	[sflag:s24] =	ssyncset.done $0x0  }
0x1d0: {  	s0 =	rddreg [dreg:$0x13];
	[sflag:s24] =	ssyncadd.s32 $0xFFFFC000  }
0x1d1: {  	[hbm4b:s0+s3] =	stream.linear.scatter [tilespmem:s30], [sflag:$0x9], $0x4000, $0x38;
	[tilespmem:$0x18100] =	vst v63  }
0x1d2: {  	_ =	swait.ge [sflag:s28], $0x4000  }
0x1d3: {  	[sflag:s28] =	ssyncset.done $0x0  }
0x1d4: {  	s1 =	rddreg [dreg:$0x14];
	[sflag:s28] =	ssyncadd.s32 $0xFFFFC000  }
0x1d5: {  	[hbm4b:s1+s3] =	stream.linear.scatter [tilespmem:s10], [sflag:$0xA], $0x4000, $0x38;
	[tilespmem:$0x18100] =	vst v63  }
0x1d6: {  	_ =	swait.ge [sflag:s4], $0x4000  }
0x1d7: {  	[sflag:s4] =	ssyncset.done $0x0  }
0x1d8: {  	[sflag:s4] =	ssyncadd.s32 $0xFFFFC000  }
0x1d9: {  	_ =	swait.ge [sflag:s9], $0x4000  }
0x1da: {  	[sflag:s9] =	ssyncset.done $0x0  }
0x1db: {  	[sflag:s9] =	ssyncadd.s32 $0xFFFFC000  }
0x1dc: {  	_ =	swait.ge [sflag:s23], $0x4000  }
0x1dd: {  	[sflag:s23] =	ssyncset.done $0x0  }
0x1de: {  	[sflag:s23] =	ssyncadd.s32 $0xFFFFC000  }
0x1df: {  	_ =	swait.ge [sflag:s25], $0x4000  }
0x1e0: {  	[sflag:s25] =	ssyncset.done $0x0  }
0x1e1: {  	[sflag:s25] =	ssyncadd.s32 $0xFFFFC000  }
0x1e2: {  	p0 =	sne.s32 s8, $0x1;
	_ =	swait.ge [sflag:s29], $0x4000  }
.Ltmp0:
0x1e3: {  	[sflag:s29] =	ssyncset.done $0x0;
	(pc) =	sbr.rel @p0 .LBB2_1-.Ltmp0, $4  }
0x1e4: {  	[sflag:s29] =	ssyncadd.s32 $0xFFFFC000  }
0x1e5: {  	_ =	swait.ge [sflag:s31], $0x4000  }
0x1e6: {  	[sflag:s31] =	ssyncset.done $0x0  }
0x1e7: {  	s8 =	sadd.s32 $0xFFFFFFFF, s8;
	[sflag:s31] =	ssyncadd.s32 $0xFFFFC000  }
0x1e8: {  	_ =	sfence.sel $0x180000  }
0x1e9: {  	[bflag:$0x0] =	sbarrier.arrive $0xFFFF  }
0x1ea: {  	_ =	strace $0x90000047  }
0x1eb: {  	s0 =	stileid.u32;
	[bflag:$0x2] =	sbarrier.arrive $0xFFFF  }
0x1ec: {  	p0 =	sne.s32 s0, $0x0;
	s0 =	rddreg [dreg:$0x3]  }
0x1ed: {  	s0 =	sadd.s32 @!p0 $0x100000, s0  }
0x1ee: {  	[sflag:s0] =	ssyncadd.tile.s32 @!p0 $0x1;
	_ =	shalt  }
.Lfunc_end2:
_tile_overlayer_lowered:
.L_overlay_start_2:
0x1ef: {  	(tag) =	ssettag $0x2  }
0x1f0: {  	s0 =	rddreg [dreg:$0x0];
	s2 =	stileid.u32  }
0x1f1: {  	s1 =	rddreg [dreg:$0x1];
	p0 =	sne.s32 s2, $0x0  }
0x1f2: {  	s3 =	rddreg [dreg:$0x2];
	[bflag:$0x3] =	sbarrier.arrive $0xFFFF;
	s2 =	simm.s32 @!p0 $0x1C0D  }
0x1f3: {  	[timem:s3], [sflag:s2] =	dma.local @!p0 [hbm:s0], s1  }
0x1f4: {  	s0 =	simm.s32 @!p0 $0xD  }
0x1f5: {  	_ =	swait.ge @!p0 [sflag:s0], s1  }
0x1f6: {  	s1 =	ssub.s32 @!p0 $0x0, s1;
	[sflag:s0] =	ssyncset.done @!p0 $0x0  }
0x1f7: {  	[sflag:s0] =	ssyncadd.s32 @!p0 s1  }
0x1f8: {  	[bflag:$0x3] =	sbarrier.arrive $0xFFFF  }
0x1f9: {  	_ =	shalt  }

</sc_bundles>
